<compile_context>
chip_gen: v7x
topology: tpu7x:2x2x1
jax: 0.10.2.dev20260603
libtpu: 0.0.44.dev20260713+nightly
codegen_flags: <defaults>
</compile_context>

<pallas_src>
import dataclasses
import functools

import jax
import jax.numpy as jnp
from jax import lax
from jax.experimental import pallas as pl
from jax.experimental.pallas import tpu as pltpu
from jax.experimental.pallas import tpu_sc as plsc

NC = 2
NS = 16
LANES = 16
CHUNK = 128
NSLOT = 2
NACC = 10240
DH = 64


def _sc_aggregate(xs, src, dst, z64, z16, iota):
    nchunk = src.shape[1]
    ngroup = nchunk // NSLOT
    nrow16 = NACC // LANES

    mesh = plsc.VectorSubcoreMesh(core_axis_name="c", subcore_axis_name="s")

    cp = pltpu.CompilerParams()
    if "needs_layout_passes" in pltpu.CompilerParams.__dataclass_fields__:
        cp = dataclasses.replace(cp, needs_layout_passes=False)
    if "use_tc_tiling_on_sc" in pltpu.CompilerParams.__dataclass_fields__:
        cp = dataclasses.replace(cp, use_tc_tiling_on_sc=False)

    @functools.partial(
        pl.kernel,
        compiler_params=cp,
        out_type=[
            jax.ShapeDtypeStruct((NC, NACC, DH), jnp.bfloat16),
            jax.ShapeDtypeStruct((NC, nrow16, LANES), jnp.float32),
        ],
        mesh=mesh,
        scratch_types=[
            pltpu.VMEM((nchunk, CHUNK), jnp.int32),
            pltpu.VMEM((nchunk, CHUNK), jnp.int32),
            pltpu.VMEM((NSLOT, CHUNK, DH), jnp.bfloat16),
            pltpu.VMEM((nrow16, LANES), jnp.float32),
            pltpu.VMEM((CHUNK,), jnp.int32),
            pltpu.VMEM_SHARED((NACC, DH), jnp.bfloat16),
            pltpu.VMEM_SHARED((NACC, DH), jnp.bfloat16),
            pltpu.VMEM_SHARED((nrow16, LANES), jnp.float32),
            [pltpu.SemaphoreType.DMA] * NSLOT,
            [pltpu.SemaphoreType.DMA] * NSLOT,
        ],
    )
    def sc_kernel(xb_hbm, src_hbm, dst_hbm, z64_hbm, z16_hbm, iota_hbm,
                  acc_out, cnt_out, sidx_all, didx_all, rows_v, cnt_v,
                  idxc_v, acc_sh, x_sh, cnt_sh, sem_g, sem_s):
        cid = lax.axis_index("c")
        sid = lax.axis_index("s")
        rpt = NACC // NS

        pltpu.sync_copy(z64_hbm, acc_sh.at[pl.ds(sid * rpt, rpt)])
        pltpu.sync_copy(z16_hbm, cnt_v)
        pltpu.sync_copy(src_hbm.at[sid], sidx_all)
        pltpu.sync_copy(dst_hbm.at[sid], didx_all)
        nxt = xb_hbm.shape[0] // NS
        pltpu.sync_copy(xb_hbm.at[pl.ds(sid * nxt, nxt),
                                  pl.ds(cid * DH, DH)],
                        x_sh.at[pl.ds(sid * nxt, nxt)])

        @pl.when(sid == 0)
        def _():
            pltpu.sync_copy(z16_hbm, cnt_sh)

        plsc.subcore_barrier()

        ones = jnp.full((LANES,), 1.0, jnp.float32)
        four = jnp.full((LANES,), 4, jnp.int32)
        fifteen = jnp.full((LANES,), 15, jnp.int32)

        def gather_start(c, b):
            pltpu.async_copy(x_sh.at[sidx_all.at[c]], rows_v.at[b], sem_g[b])

        def gather_wait(c, b):
            pltpu.make_async_copy(x_sh.at[sidx_all.at[c]], rows_v.at[b],
                                  sem_g[b]).wait()

        def scatter_start(c, b):
            pltpu.async_copy(rows_v.at[b], acc_sh.at[didx_all.at[c]],
                             sem_s[b], add=True)

        def scatter_wait(c, b):
            pltpu.make_async_copy(rows_v.at[b], acc_sh.at[didx_all.at[c]],
                                  sem_s[b]).wait()

        def counts(c):
            @pl.when(lax.bitwise_and(c, 1) == cid)
            def _():
                for i in range(CHUNK // LANES):
                    dv = didx_all[c, pl.ds(i * LANES, LANES)]
                    row = lax.shift_right_logical(dv, four)
                    col = lax.bitwise_and(dv, fifteen)
                    plsc.addupdate_scatter(cnt_v, [row, col], ones)

        gather_start(0, 0)

        @pl.loop(0, ngroup)
        def _(g):
            c0 = g * 2
            c1 = c0 + 1

            @pl.when(g > 0)
            def _():
                scatter_wait(c0 - 1, 1)

            gather_start(c1, 1)
            gather_wait(c0, 0)
            scatter_start(c0, 0)
            counts(c0)
            scatter_wait(c0, 0)

            @pl.when(g + 1 < ngroup)
            def _():
                gather_start(c0 + 2, 0)

            gather_wait(c1, 1)
            scatter_start(c1, 1)
            counts(c1)

        scatter_wait(nchunk - 1, 1)

        plsc.subcore_barrier()

        for c in range(nrow16 // CHUNK):
            pltpu.sync_copy(iota_hbm.at[pl.ds(c * CHUNK, CHUNK)], idxc_v)
            pltpu.sync_copy(cnt_v.at[pl.ds(c * CHUNK, CHUNK)],
                            cnt_sh.at[idxc_v], add=True)

        pltpu.sync_copy(acc_sh.at[pl.ds(sid * rpt, rpt)],
                        acc_out.at[cid, pl.ds(sid * rpt, rpt)])

        plsc.subcore_barrier()

        crows = nrow16 // NS
        pltpu.sync_copy(cnt_sh.at[pl.ds(sid * crows, crows)],
                        cnt_out.at[cid, pl.ds(sid * crows, crows)])

    return sc_kernel(xs, src, dst, z64, z16, iota)


def _tc_root(x, wr, b):
    n, d = x.shape
    blk = 2000

    def body(x_ref, wr_ref, b_ref, o_ref):
        o_ref[...] = jnp.dot(
            x_ref[...], wr_ref[...], preferred_element_type=jnp.float32) + b_ref[...]

    return pl.pallas_call(
        body,
        grid=(n // blk,),
        in_specs=[
            pl.BlockSpec((blk, d), lambda i: (i, 0)),
            pl.BlockSpec((d, d), lambda i: (0, 0)),
            pl.BlockSpec((1, d), lambda i: (0, 0)),
        ],
        out_specs=pl.BlockSpec((blk, d), lambda i: (i, 0)),
        out_shape=jax.ShapeDtypeStruct((n, d), jnp.float32),
    )(x, wr, b.reshape(1, d))


def _tc_dense(p, cnt, r, wl):
    n, d = r.shape
    blk = 2000

    def body(p_ref, c_ref, r_ref, wl_ref, o_ref):
        c = jnp.clip(c_ref[0] + c_ref[1], 1.0)
        m0 = p_ref[0].astype(jnp.float32) / c
        m1 = p_ref[1].astype(jnp.float32) / c
        wl = wl_ref[...]
        o_ref[...] = (
            jnp.dot(m0, wl[:DH], preferred_element_type=jnp.float32)
            + jnp.dot(m1, wl[DH:], preferred_element_type=jnp.float32)
            + r_ref[...])

    return pl.pallas_call(
        body,
        grid=(n // blk,),
        in_specs=[
            pl.BlockSpec((NC, blk, DH), lambda i: (0, i, 0)),
            pl.BlockSpec((NC, blk, 1), lambda i: (0, i, 0)),
            pl.BlockSpec((blk, d), lambda i: (i, 0)),
            pl.BlockSpec((d, d), lambda i: (0, 0)),
        ],
        out_specs=pl.BlockSpec((blk, d), lambda i: (i, 0)),
        out_shape=jax.ShapeDtypeStruct((n, d), jnp.float32),
    )(p, cnt, r, wl)


def kernel(x, edge_index, W_l, W_r, b):
    n, d = x.shape
    e = edge_index.shape[1]
    nchunk = -(-e // (NS * NSLOT * CHUNK)) * NSLOT
    ept = nchunk * CHUNK
    epad = ept * NS
    src = edge_index[0]
    dst = edge_index[1]
    if epad > e:
        pad = epad - e
        src = jnp.concatenate([src, jnp.zeros((pad,), jnp.int32)])
        dst = jnp.concatenate([dst, jnp.full((pad,), NACC - 1, jnp.int32)])
    src = src.reshape(NS, nchunk, CHUNK)
    dst = dst.reshape(NS, nchunk, CHUNK)

    xb = x.astype(jnp.bfloat16)
    z64 = jnp.zeros((NACC // NS, DH), jnp.bfloat16)
    z16 = jnp.zeros((NACC // LANES, LANES), jnp.float32)
    iota = jnp.arange(NACC // LANES, dtype=jnp.int32)

    acc, cnt = _sc_aggregate(xb, src, dst, z64, z16, iota)
    r = _tc_root(xb, W_r.astype(jnp.bfloat16), b)
    cnt = cnt.reshape(NC, NACC, 1)
    return _tc_dense(acc, cnt, r, W_l)

# --- scband reference (transcript-rebuilt; emitter-appended) ---
"""Pipeline reference for scband-sageconv-29781303231102 (READ-ONLY COPY).

The authoritative reference and input builder live on the scoring server;
editing this copy changes nothing except your own understanding.
"""

import jax, jax.numpy as jnp
import numpy as np

N = 10000
E = 320000
D_IN = 128
D_OUT = 128


def setup_inputs(seed: int = 0) -> dict:
    key = jax.random.key(seed)
    k1, k2, k3, k4 = jax.random.split(key, 4)
    x = jax.random.normal(k1, (N, D_IN), dtype=jnp.float32)
    edge_index = jax.random.randint(k2, (2, E), 0, N, dtype=jnp.int32)
    # Learned params of SAGEConv (mean aggr, root_weight=True, bias=True):
    # lin_l applied to aggregated neighbor features, lin_r applied to root features.
    W_l = jax.random.normal(k3, (D_IN, D_OUT), dtype=jnp.float32) * 0.05
    W_r = jax.random.normal(k4, (D_IN, D_OUT), dtype=jnp.float32) * 0.05
    b = jnp.zeros((D_OUT,), dtype=jnp.float32)
    return {"x": x, "edge_index": edge_index, "W_l": W_l, "W_r": W_r, "b": b}


def reference(x, edge_index, W_l, W_r, b):
    # SAGEConv forward: out = lin_l(mean_{j in N(i)} x_j) + lin_r(x_i) + bias
    # batch_norm=False, residual=False, activation=None, normalize=False -> no extra ops.
    src = edge_index[0]
    dst = edge_index[1]
    msgs = jnp.take(x, src, axis=0)                                  # gather  [E, D_IN]
    agg_sum = jax.ops.segment_sum(msgs, dst, num_segments=N)        # scatter-add [N, D_IN]
    cnt = jax.ops.segment_sum(jnp.ones((E,), dtype=x.dtype), dst, num_segments=N)
    agg_mean = agg_sum / jnp.clip(cnt, 1.0)[:, None]                # mean aggregation
    out = agg_mean @ W_l + x @ W_r + b
    return out

if __name__ == "__main__":
    import jax
    _d = setup_inputs()
    print(jax.jit(kernel)(*tuple(_d.values())))

</pallas_src>

<mosaic_0001>
#map = affine_map<(d0, d1) -> (0, 0)>
#map1 = affine_map<(d0, d1) -> (0, 0, 0)>
#map2 = affine_map<(d0, d1) -> (0)>
module attributes {stable_mosaic.version = 14 : i64} {
  func.func @sc_kernel(%arg0: i32, %arg1: i32, %arg2: memref<10000x128xbf16, #tpu.memory_space<hbm>>, %arg3: memref<16x158x128xi32, #tpu.memory_space<hbm>>, %arg4: memref<16x158x128xi32, #tpu.memory_space<hbm>>, %arg5: memref<640x64xbf16, #tpu.memory_space<hbm>>, %arg6: memref<640x16xf32, #tpu.memory_space<hbm>>, %arg7: memref<640xi32, #tpu.memory_space<hbm>>, %arg8: memref<2x10240x64xbf16, #tpu.memory_space<hbm>>, %arg9: memref<2x640x16xf32, #tpu.memory_space<hbm>>, %arg10: memref<158x128xi32, #tpu.memory_space<vmem>>, %arg11: memref<158x128xi32, #tpu.memory_space<vmem>>, %arg12: memref<2x128x64xbf16, #tpu.memory_space<vmem>>, %arg13: memref<640x16xf32, #tpu.memory_space<vmem>>, %arg14: memref<128xi32, #tpu.memory_space<vmem>>, %arg15: memref<10240x64xbf16, #tpu.memory_space<vmem_shared>>, %arg16: memref<10240x64xbf16, #tpu.memory_space<vmem_shared>>, %arg17: memref<640x16xf32, #tpu.memory_space<vmem_shared>>, %arg18: memref<!tpu.dma_semaphore, #tpu.memory_space<semaphore_mem>>, %arg19: memref<!tpu.dma_semaphore, #tpu.memory_space<semaphore_mem>>, %arg20: memref<!tpu.dma_semaphore, #tpu.memory_space<semaphore_mem>>, %arg21: memref<!tpu.dma_semaphore, #tpu.memory_space<semaphore_mem>>) attributes {dimension_semantics = [#tpu.dimension_semantics<core_parallel>, #tpu.dimension_semantics<subcore_parallel>], iteration_bounds = array<i64: 2, 16>, scalar_prefetch = 0 : i64, scratch_operands = 12 : i64, tpu.core_type = #tpu.core_type<sc_vector_subcore>, window_params = [{transform_indices = #map}, {transform_indices = #map1}, {transform_indices = #map1}, {transform_indices = #map}, {transform_indices = #map}, {transform_indices = #map2}, {transform_indices = #map1}, {transform_indices = #map1}]} {
    %mul3A = arith.constant 640 : i32
    %mul3A_0 = arith.muli %arg1, %mul3A : i32
    "tpu.region"() ({
      %run_scoped3A = tpu.sem_alloc : memref<!tpu.dma_semaphore, #tpu.memory_space<semaphore_mem>>
      %dma_start3A_50 = arith.constant 0 : i32
      %dma_start3A_51 = tpu.memref_slice %arg15[%mul3A_0, %dma_start3A_50] : memref<10240x64xbf16, #tpu.memory_space<vmem_shared>> -> memref<640x64xbf16, #tpu.memory_space<vmem_shared>>
      tpu.enqueue_dma source(%arg5 : memref<640x64xbf16, #tpu.memory_space<hbm>>) target(%dma_start3A_51 : memref<640x64xbf16, #tpu.memory_space<vmem_shared>>) target_semaphore(%run_scoped3A : memref<!tpu.dma_semaphore, #tpu.memory_space<semaphore_mem>>)
      %dma_wait3A_52 = arith.constant 0 : i32
      %dma_wait3A_53 = tpu.memref_slice %arg15[%mul3A_0, %dma_wait3A_52] : memref<10240x64xbf16, #tpu.memory_space<vmem_shared>> -> memref<640x64xbf16, #tpu.memory_space<vmem_shared>>
      tpu.wait_dma2 semaphore(%run_scoped3A : memref<!tpu.dma_semaphore, #tpu.memory_space<semaphore_mem>>) src(%arg5 : memref<640x64xbf16, #tpu.memory_space<hbm>>) dst(%dma_wait3A_53 : memref<640x64xbf16, #tpu.memory_space<vmem_shared>>)
      tpu.yield
    }) : () -> ()
    "tpu.region"() ({
      %run_scoped3A = tpu.sem_alloc : memref<!tpu.dma_semaphore, #tpu.memory_space<semaphore_mem>>
      tpu.enqueue_dma source(%arg6 : memref<640x16xf32, #tpu.memory_space<hbm>>) target(%arg13 : memref<640x16xf32, #tpu.memory_space<vmem>>) target_semaphore(%run_scoped3A : memref<!tpu.dma_semaphore, #tpu.memory_space<semaphore_mem>>)
      tpu.wait_dma2 semaphore(%run_scoped3A : memref<!tpu.dma_semaphore, #tpu.memory_space<semaphore_mem>>) src(%arg6 : memref<640x16xf32, #tpu.memory_space<hbm>>) dst(%arg13 : memref<640x16xf32, #tpu.memory_space<vmem>>)
      tpu.yield
    }) : () -> ()
    "tpu.region"() ({
      %run_scoped3A = tpu.sem_alloc : memref<!tpu.dma_semaphore, #tpu.memory_space<semaphore_mem>>
      %dma_start3A_50 = arith.constant 0 : i32
      %dma_start3A_51 = arith.constant 0 : i32
      %dma_start3A_52 = tpu.memref_slice %arg3[%arg1, %dma_start3A_50, %dma_start3A_51] : memref<16x158x128xi32, #tpu.memory_space<hbm>> -> memref<1x158x128xi32, #tpu.memory_space<hbm>>
      %dma_start3A_53 = tpu.memref_squeeze %dma_start3A_52 : memref<1x158x128xi32, #tpu.memory_space<hbm>> -> memref<158x128xi32, #tpu.memory_space<hbm>>
      %dma_start3A_54 = arith.constant 0 : i32
      %dma_start3A_55 = arith.constant 0 : i32
      %dma_start3A_56 = tpu.memref_slice %arg3[%arg1, %dma_start3A_54, %dma_start3A_55] : memref<16x158x128xi32, #tpu.memory_space<hbm>> -> memref<1x158x128xi32, #tpu.memory_space<hbm>>
      %dma_start3A_57 = tpu.memref_squeeze %dma_start3A_56 : memref<1x158x128xi32, #tpu.memory_space<hbm>> -> memref<158x128xi32, #tpu.memory_space<hbm>>
      tpu.enqueue_dma source(%dma_start3A_57 : memref<158x128xi32, #tpu.memory_space<hbm>>) target(%arg10 : memref<158x128xi32, #tpu.memory_space<vmem>>) target_semaphore(%run_scoped3A : memref<!tpu.dma_semaphore, #tpu.memory_space<semaphore_mem>>)
      %dma_wait3A_58 = arith.constant 0 : i32
      %dma_wait3A_59 = arith.constant 0 : i32
      %dma_wait3A_60 = tpu.memref_slice %arg3[%arg1, %dma_wait3A_58, %dma_wait3A_59] : memref<16x158x128xi32, #tpu.memory_space<hbm>> -> memref<1x158x128xi32, #tpu.memory_space<hbm>>
      %dma_wait3A_61 = tpu.memref_squeeze %dma_wait3A_60 : memref<1x158x128xi32, #tpu.memory_space<hbm>> -> memref<158x128xi32, #tpu.memory_space<hbm>>
      %dma_wait3A_62 = arith.constant 0 : i32
      %dma_wait3A_63 = arith.constant 0 : i32
      %dma_wait3A_64 = tpu.memref_slice %arg3[%arg1, %dma_wait3A_62, %dma_wait3A_63] : memref<16x158x128xi32, #tpu.memory_space<hbm>> -> memref<1x158x128xi32, #tpu.memory_space<hbm>>
      %dma_wait3A_65 = tpu.memref_squeeze %dma_wait3A_64 : memref<1x158x128xi32, #tpu.memory_space<hbm>> -> memref<158x128xi32, #tpu.memory_space<hbm>>
      tpu.wait_dma2 semaphore(%run_scoped3A : memref<!tpu.dma_semaphore, #tpu.memory_space<semaphore_mem>>) src(%dma_wait3A_65 : memref<158x128xi32, #tpu.memory_space<hbm>>) dst(%arg10 : memref<158x128xi32, #tpu.memory_space<vmem>>)
      tpu.yield
    }) : () -> ()
    "tpu.region"() ({
      %run_scoped3A = tpu.sem_alloc : memref<!tpu.dma_semaphore, #tpu.memory_space<semaphore_mem>>
      %dma_start3A_50 = arith.constant 0 : i32
      %dma_start3A_51 = arith.constant 0 : i32
      %dma_start3A_52 = tpu.memref_slice %arg4[%arg1, %dma_start3A_50, %dma_start3A_51] : memref<16x158x128xi32, #tpu.memory_space<hbm>> -> memref<1x158x128xi32, #tpu.memory_space<hbm>>
      %dma_start3A_53 = tpu.memref_squeeze %dma_start3A_52 : memref<1x158x128xi32, #tpu.memory_space<hbm>> -> memref<158x128xi32, #tpu.memory_space<hbm>>
      %dma_start3A_54 = arith.constant 0 : i32
      %dma_start3A_55 = arith.constant 0 : i32
      %dma_start3A_56 = tpu.memref_slice %arg4[%arg1, %dma_start3A_54, %dma_start3A_55] : memref<16x158x128xi32, #tpu.memory_space<hbm>> -> memref<1x158x128xi32, #tpu.memory_space<hbm>>
      %dma_start3A_57 = tpu.memref_squeeze %dma_start3A_56 : memref<1x158x128xi32, #tpu.memory_space<hbm>> -> memref<158x128xi32, #tpu.memory_space<hbm>>
      tpu.enqueue_dma source(%dma_start3A_57 : memref<158x128xi32, #tpu.memory_space<hbm>>) target(%arg11 : memref<158x128xi32, #tpu.memory_space<vmem>>) target_semaphore(%run_scoped3A : memref<!tpu.dma_semaphore, #tpu.memory_space<semaphore_mem>>)
      %dma_wait3A_58 = arith.constant 0 : i32
      %dma_wait3A_59 = arith.constant 0 : i32
      %dma_wait3A_60 = tpu.memref_slice %arg4[%arg1, %dma_wait3A_58, %dma_wait3A_59] : memref<16x158x128xi32, #tpu.memory_space<hbm>> -> memref<1x158x128xi32, #tpu.memory_space<hbm>>
      %dma_wait3A_61 = tpu.memref_squeeze %dma_wait3A_60 : memref<1x158x128xi32, #tpu.memory_space<hbm>> -> memref<158x128xi32, #tpu.memory_space<hbm>>
      %dma_wait3A_62 = arith.constant 0 : i32
      %dma_wait3A_63 = arith.constant 0 : i32
      %dma_wait3A_64 = tpu.memref_slice %arg4[%arg1, %dma_wait3A_62, %dma_wait3A_63] : memref<16x158x128xi32, #tpu.memory_space<hbm>> -> memref<1x158x128xi32, #tpu.memory_space<hbm>>
      %dma_wait3A_65 = tpu.memref_squeeze %dma_wait3A_64 : memref<1x158x128xi32, #tpu.memory_space<hbm>> -> memref<158x128xi32, #tpu.memory_space<hbm>>
      tpu.wait_dma2 semaphore(%run_scoped3A : memref<!tpu.dma_semaphore, #tpu.memory_space<semaphore_mem>>) src(%dma_wait3A_65 : memref<158x128xi32, #tpu.memory_space<hbm>>) dst(%arg11 : memref<158x128xi32, #tpu.memory_space<vmem>>)
      tpu.yield
    }) : () -> ()
    %mul3A_1 = arith.constant 625 : i32
    %mul3A_2 = arith.muli %arg1, %mul3A_1 : i32
    %mul3A_3 = arith.constant 64 : i32
    %mul3A_4 = arith.muli %arg0, %mul3A_3 : i32
    %mul3A_5 = arith.constant 625 : i32
    %mul3A_6 = arith.muli %arg1, %mul3A_5 : i32
    "tpu.region"() ({
      %run_scoped3A = tpu.sem_alloc : memref<!tpu.dma_semaphore, #tpu.memory_space<semaphore_mem>>
      %dma_start3A_50 = arith.constant 0 : i32
      %dma_start3A_51 = tpu.memref_slice %arg16[%mul3A_6, %dma_start3A_50] : memref<10240x64xbf16, #tpu.memory_space<vmem_shared>> -> memref<625x64xbf16, #tpu.memory_space<vmem_shared>>
      %dma_start3A_52 = tpu.memref_slice %arg2[%mul3A_2, %mul3A_4] : memref<10000x128xbf16, #tpu.memory_space<hbm>> -> memref<625x64xbf16, #tpu.memory_space<hbm>>
      tpu.enqueue_dma source(%dma_start3A_52 : memref<625x64xbf16, #tpu.memory_space<hbm>>) target(%dma_start3A_51 : memref<625x64xbf16, #tpu.memory_space<vmem_shared>>) target_semaphore(%run_scoped3A : memref<!tpu.dma_semaphore, #tpu.memory_space<semaphore_mem>>)
      %dma_wait3A_53 = arith.constant 0 : i32
      %dma_wait3A_54 = tpu.memref_slice %arg16[%mul3A_6, %dma_wait3A_53] : memref<10240x64xbf16, #tpu.memory_space<vmem_shared>> -> memref<625x64xbf16, #tpu.memory_space<vmem_shared>>
      %dma_wait3A_55 = tpu.memref_slice %arg2[%mul3A_2, %mul3A_4] : memref<10000x128xbf16, #tpu.memory_space<hbm>> -> memref<625x64xbf16, #tpu.memory_space<hbm>>
      tpu.wait_dma2 semaphore(%run_scoped3A : memref<!tpu.dma_semaphore, #tpu.memory_space<semaphore_mem>>) src(%dma_wait3A_55 : memref<625x64xbf16, #tpu.memory_space<hbm>>) dst(%dma_wait3A_54 : memref<625x64xbf16, #tpu.memory_space<vmem_shared>>)
      tpu.yield
    }) : () -> ()
    %eq3A = arith.constant 0 : i32
    %eq3A_7 = arith.cmpi eq, %arg1, %eq3A : i32
    %convert_element_type3A = arith.extui %eq3A_7 : i1 to i32
    %cond3A = arith.constant 0 : i32
    %cond3A_8 = arith.cmpi ne, %convert_element_type3A, %cond3A : i32
    scf.if %cond3A_8 {
      "tpu.region"() ({
        %run_scoped3A = tpu.sem_alloc : memref<!tpu.dma_semaphore, #tpu.memory_space<semaphore_mem>>
        tpu.enqueue_dma source(%arg6 : memref<640x16xf32, #tpu.memory_space<hbm>>) target(%arg17 : memref<640x16xf32, #tpu.memory_space<vmem_shared>>) target_semaphore(%run_scoped3A : memref<!tpu.dma_semaphore, #tpu.memory_space<semaphore_mem>>)
        tpu.wait_dma2 semaphore(%run_scoped3A : memref<!tpu.dma_semaphore, #tpu.memory_space<semaphore_mem>>) src(%arg6 : memref<640x16xf32, #tpu.memory_space<hbm>>) dst(%arg17 : memref<640x16xf32, #tpu.memory_space<vmem_shared>>)
        tpu.yield
      }) : () -> ()
    } else {
    }
    %barrier3A = arith.constant 0 : index
    tpu.barrier barrier_id(%barrier3A)
    %broadcast_in_dim3A = arith.constant 1.000000e+00 : f32
    %broadcast_in_dim3A_9 = vector.broadcast %broadcast_in_dim3A : f32 to vector<16xf32>
    %broadcast_in_dim3A_10 = arith.constant 4 : i32
    %broadcast_in_dim3A_11 = vector.broadcast %broadcast_in_dim3A_10 : i32 to vector<16xi32>
    %broadcast_in_dim3A_12 = arith.constant 15 : i32
    %broadcast_in_dim3A_13 = vector.broadcast %broadcast_in_dim3A_12 : i32 to vector<16xi32>
    %dma_start3A = arith.constant 0 : i32
    %dma_start3A_14 = arith.constant 0 : i32
    %dma_start3A_15 = arith.constant 0 : i32
    %dma_start3A_16 = arith.constant 0 : i32
    %dma_start3A_17 = tpu.memref_slice %arg12[%dma_start3A_14, %dma_start3A_15, %dma_start3A_16] : memref<2x128x64xbf16, #tpu.memory_space<vmem>> -> memref<1x128x64xbf16, #tpu.memory_space<vmem>>
    %dma_start3A_18 = tpu.memref_squeeze %dma_start3A_17 : memref<1x128x64xbf16, #tpu.memory_space<vmem>> -> memref<128x64xbf16, #tpu.memory_space<vmem>>
    %dma_start3A_19 = arith.constant 0 : i32
    %dma_start3A_20 = tpu.memref_slice %arg10[%dma_start3A, %dma_start3A_19] : memref<158x128xi32, #tpu.memory_space<vmem>> -> memref<1x128xi32, #tpu.memory_space<vmem>>
    %dma_start3A_21 = tpu.memref_squeeze %dma_start3A_20 : memref<1x128xi32, #tpu.memory_space<vmem>> -> memref<128xi32, #tpu.memory_space<vmem>>
    %dma_start3A_22 = arith.constant 0 : i32
    %dma_start3A_23 = arith.constant 0 : i32
    %dma_start3A_24 = tpu.memref_slice %arg16[%dma_start3A_22, %dma_start3A_23] : memref<10240x64xbf16, #tpu.memory_space<vmem_shared>> -> memref<10240x64xbf16, #tpu.memory_space<vmem_shared>>
    tpu.enqueue_indirect_dma source(%dma_start3A_24 : memref<10240x64xbf16, #tpu.memory_space<vmem_shared>>) target(%dma_start3A_18 : memref<128x64xbf16, #tpu.memory_space<vmem>>) offsets(%dma_start3A_21 : memref<128xi32, #tpu.memory_space<vmem>>) semaphore(%arg18 : memref<!tpu.dma_semaphore, #tpu.memory_space<semaphore_mem>>)
    %scan3A = arith.constant 0 : i32
    %scan3A_25 = arith.constant 79 : i32
    %scan3A_26 = arith.addi %scan3A, %scan3A_25 : i32
    %scan3A_27 = arith.constant 1 : i32
    scf.for %scan3A_50 = %scan3A to %scan3A_26 step %scan3A_27  : i32 {
      %mul3A_51 = arith.constant 1 : i32
      %mul3A_52 = arith.muli %scan3A_50, %mul3A_51 : i32
      %add3A = arith.constant 0 : i32
      %add3A_53 = arith.addi %add3A, %mul3A_52 : i32
      %mul3A_54 = arith.constant 2 : i32
      %mul3A_55 = arith.muli %add3A_53, %mul3A_54 : i32
      %add3A_56 = arith.constant 1 : i32
      %add3A_57 = arith.addi %mul3A_55, %add3A_56 : i32
      %gt3A = arith.constant 0 : i32
      %gt3A_58 = arith.cmpi sgt, %add3A_53, %gt3A : i32
      %convert_element_type3A_59 = arith.extui %gt3A_58 : i1 to i32
      %cond3A_60 = arith.constant 0 : i32
      %cond3A_61 = arith.cmpi ne, %convert_element_type3A_59, %cond3A_60 : i32
      scf.if %cond3A_61 {
        %sub3A = arith.constant 1 : i32
        %sub3A_145 = arith.subi %mul3A_55, %sub3A : i32
        %dma_wait3A_146 = arith.constant 1 : i32
        %dma_wait3A_147 = arith.constant 0 : i32
        %dma_wait3A_148 = arith.constant 0 : i32
        %dma_wait3A_149 = tpu.memref_slice %arg12[%dma_wait3A_146, %dma_wait3A_147, %dma_wait3A_148] : memref<2x128x64xbf16, #tpu.memory_space<vmem>> -> memref<1x128x64xbf16, #tpu.memory_space<vmem>>
        %dma_wait3A_150 = tpu.memref_squeeze %dma_wait3A_149 : memref<1x128x64xbf16, #tpu.memory_space<vmem>> -> memref<128x64xbf16, #tpu.memory_space<vmem>>
        %dma_wait3A_151 = arith.constant 0 : i32
        %dma_wait3A_152 = tpu.memref_slice %arg11[%sub3A_145, %dma_wait3A_151] : memref<158x128xi32, #tpu.memory_space<vmem>> -> memref<1x128xi32, #tpu.memory_space<vmem>>
        %dma_wait3A_153 = tpu.memref_squeeze %dma_wait3A_152 : memref<1x128xi32, #tpu.memory_space<vmem>> -> memref<128xi32, #tpu.memory_space<vmem>>
        %dma_wait3A_154 = arith.constant 0 : i32
        %dma_wait3A_155 = arith.constant 0 : i32
        %dma_wait3A_156 = tpu.memref_slice %arg15[%dma_wait3A_154, %dma_wait3A_155] : memref<10240x64xbf16, #tpu.memory_space<vmem_shared>> -> memref<10240x64xbf16, #tpu.memory_space<vmem_shared>>
        tpu.wait_indirect_dma semaphore(%arg21 : memref<!tpu.dma_semaphore, #tpu.memory_space<semaphore_mem>>) src(%dma_wait3A_150 : memref<128x64xbf16, #tpu.memory_space<vmem>>) dst(%dma_wait3A_156 : memref<10240x64xbf16, #tpu.memory_space<vmem_shared>>)
      } else {
      }
      %dma_start3A_62 = arith.constant 1 : i32
      %dma_start3A_63 = arith.constant 0 : i32
      %dma_start3A_64 = arith.constant 0 : i32
      %dma_start3A_65 = tpu.memref_slice %arg12[%dma_start3A_62, %dma_start3A_63, %dma_start3A_64] : memref<2x128x64xbf16, #tpu.memory_space<vmem>> -> memref<1x128x64xbf16, #tpu.memory_space<vmem>>
      %dma_start3A_66 = tpu.memref_squeeze %dma_start3A_65 : memref<1x128x64xbf16, #tpu.memory_space<vmem>> -> memref<128x64xbf16, #tpu.memory_space<vmem>>
      %dma_start3A_67 = arith.constant 0 : i32
      %dma_start3A_68 = tpu.memref_slice %arg10[%add3A_57, %dma_start3A_67] : memref<158x128xi32, #tpu.memory_space<vmem>> -> memref<1x128xi32, #tpu.memory_space<vmem>>
      %dma_start3A_69 = tpu.memref_squeeze %dma_start3A_68 : memref<1x128xi32, #tpu.memory_space<vmem>> -> memref<128xi32, #tpu.memory_space<vmem>>
      %dma_start3A_70 = arith.constant 0 : i32
      %dma_start3A_71 = arith.constant 0 : i32
      %dma_start3A_72 = tpu.memref_slice %arg16[%dma_start3A_70, %dma_start3A_71] : memref<10240x64xbf16, #tpu.memory_space<vmem_shared>> -> memref<10240x64xbf16, #tpu.memory_space<vmem_shared>>
      tpu.enqueue_indirect_dma source(%dma_start3A_72 : memref<10240x64xbf16, #tpu.memory_space<vmem_shared>>) target(%dma_start3A_66 : memref<128x64xbf16, #tpu.memory_space<vmem>>) offsets(%dma_start3A_69 : memref<128xi32, #tpu.memory_space<vmem>>) semaphore(%arg19 : memref<!tpu.dma_semaphore, #tpu.memory_space<semaphore_mem>>)
      %dma_wait3A_73 = arith.constant 0 : i32
      %dma_wait3A_74 = arith.constant 0 : i32
      %dma_wait3A_75 = arith.constant 0 : i32
      %dma_wait3A_76 = tpu.memref_slice %arg12[%dma_wait3A_73, %dma_wait3A_74, %dma_wait3A_75] : memref<2x128x64xbf16, #tpu.memory_space<vmem>> -> memref<1x128x64xbf16, #tpu.memory_space<vmem>>
      %dma_wait3A_77 = tpu.memref_squeeze %dma_wait3A_76 : memref<1x128x64xbf16, #tpu.memory_space<vmem>> -> memref<128x64xbf16, #tpu.memory_space<vmem>>
      %dma_wait3A_78 = arith.constant 0 : i32
      %dma_wait3A_79 = tpu.memref_slice %arg10[%mul3A_55, %dma_wait3A_78] : memref<158x128xi32, #tpu.memory_space<vmem>> -> memref<1x128xi32, #tpu.memory_space<vmem>>
      %dma_wait3A_80 = tpu.memref_squeeze %dma_wait3A_79 : memref<1x128xi32, #tpu.memory_space<vmem>> -> memref<128xi32, #tpu.memory_space<vmem>>
      %dma_wait3A_81 = arith.constant 0 : i32
      %dma_wait3A_82 = arith.constant 0 : i32
      %dma_wait3A_83 = tpu.memref_slice %arg16[%dma_wait3A_81, %dma_wait3A_82] : memref<10240x64xbf16, #tpu.memory_space<vmem_shared>> -> memref<10240x64xbf16, #tpu.memory_space<vmem_shared>>
      tpu.wait_indirect_dma semaphore(%arg18 : memref<!tpu.dma_semaphore, #tpu.memory_space<semaphore_mem>>) src(%dma_wait3A_83 : memref<10240x64xbf16, #tpu.memory_space<vmem_shared>>) dst(%dma_wait3A_77 : memref<128x64xbf16, #tpu.memory_space<vmem>>)
      %dma_start3A_84 = arith.constant 0 : i32
      %dma_start3A_85 = arith.constant 0 : i32
      %dma_start3A_86 = arith.constant 0 : i32
      %dma_start3A_87 = tpu.memref_slice %arg12[%dma_start3A_84, %dma_start3A_85, %dma_start3A_86] : memref<2x128x64xbf16, #tpu.memory_space<vmem>> -> memref<1x128x64xbf16, #tpu.memory_space<vmem>>
      %dma_start3A_88 = tpu.memref_squeeze %dma_start3A_87 : memref<1x128x64xbf16, #tpu.memory_space<vmem>> -> memref<128x64xbf16, #tpu.memory_space<vmem>>
      %dma_start3A_89 = arith.constant 0 : i32
      %dma_start3A_90 = tpu.memref_slice %arg11[%mul3A_55, %dma_start3A_89] : memref<158x128xi32, #tpu.memory_space<vmem>> -> memref<1x128xi32, #tpu.memory_space<vmem>>
      %dma_start3A_91 = tpu.memref_squeeze %dma_start3A_90 : memref<1x128xi32, #tpu.memory_space<vmem>> -> memref<128xi32, #tpu.memory_space<vmem>>
      %dma_start3A_92 = arith.constant 0 : i32
      %dma_start3A_93 = arith.constant 0 : i32
      %dma_start3A_94 = tpu.memref_slice %arg15[%dma_start3A_92, %dma_start3A_93] : memref<10240x64xbf16, #tpu.memory_space<vmem_shared>> -> memref<10240x64xbf16, #tpu.memory_space<vmem_shared>>
      tpu.enqueue_indirect_dma source(%dma_start3A_88 : memref<128x64xbf16, #tpu.memory_space<vmem>>) target(%dma_start3A_94 : memref<10240x64xbf16, #tpu.memory_space<vmem_shared>>) offsets(%dma_start3A_91 : memref<128xi32, #tpu.memory_space<vmem>>) semaphore(%arg20 : memref<!tpu.dma_semaphore, #tpu.memory_space<semaphore_mem>>) {add = true}
      %and3A = arith.constant 1 : i32
      %and3A_95 = arith.andi %mul3A_55, %and3A : i32
      %eq3A_96 = arith.cmpi eq, %and3A_95, %arg0 : i32
      %convert_element_type3A_97 = arith.extui %eq3A_96 : i1 to i32
      %cond3A_98 = arith.constant 0 : i32
      %cond3A_99 = arith.cmpi ne, %convert_element_type3A_97, %cond3A_98 : i32
      scf.if %cond3A_99 {
        %get3A = arith.index_cast %mul3A_55 : i32 to index
        %get3A_145 = arith.constant 0 : index
        %get3A_146 = tpu.vector_load %arg11[%get3A, %get3A_145] {strides = array<i32>} : memref<158x128xi32, #tpu.memory_space<vmem>>, vector<16xi32>,
        %shift_right_logical3A = arith.shrui %get3A_146, %broadcast_in_dim3A_11 : vector<16xi32>
        %and3A_147 = arith.andi %get3A_146, %broadcast_in_dim3A_13 : vector<16xi32>
        tpu.vector_store_idx %arg13[%shift_right_logical3A, %and3A_147], %broadcast_in_dim3A_9 {add = true} : memref<640x16xf32, #tpu.memory_space<vmem>>[vector<16xi32>, vector<16xi32>], vector<16xf32>,
        %get3A_148 = arith.index_cast %mul3A_55 : i32 to index
        %get3A_149 = arith.constant 16 : index
        %get3A_150 = tpu.vector_load %arg11[%get3A_148, %get3A_149] {strides = array<i32>} : memref<158x128xi32, #tpu.memory_space<vmem>>, vector<16xi32>,
        %shift_right_logical3A_151 = arith.shrui %get3A_150, %broadcast_in_dim3A_11 : vector<16xi32>
        %and3A_152 = arith.andi %get3A_150, %broadcast_in_dim3A_13 : vector<16xi32>
        tpu.vector_store_idx %arg13[%shift_right_logical3A_151, %and3A_152], %broadcast_in_dim3A_9 {add = true} : memref<640x16xf32, #tpu.memory_space<vmem>>[vector<16xi32>, vector<16xi32>], vector<16xf32>,
        %get3A_153 = arith.index_cast %mul3A_55 : i32 to index
        %get3A_154 = arith.constant 32 : index
        %get3A_155 = tpu.vector_load %arg11[%get3A_153, %get3A_154] {strides = array<i32>} : memref<158x128xi32, #tpu.memory_space<vmem>>, vector<16xi32>,
        %shift_right_logical3A_156 = arith.shrui %get3A_155, %broadcast_in_dim3A_11 : vector<16xi32>
        %and3A_157 = arith.andi %get3A_155, %broadcast_in_dim3A_13 : vector<16xi32>
        tpu.vector_store_idx %arg13[%shift_right_logical3A_156, %and3A_157], %broadcast_in_dim3A_9 {add = true} : memref<640x16xf32, #tpu.memory_space<vmem>>[vector<16xi32>, vector<16xi32>], vector<16xf32>,
        %get3A_158 = arith.index_cast %mul3A_55 : i32 to index
        %get3A_159 = arith.constant 48 : index
        %get3A_160 = tpu.vector_load %arg11[%get3A_158, %get3A_159] {strides = array<i32>} : memref<158x128xi32, #tpu.memory_space<vmem>>, vector<16xi32>,
        %shift_right_logical3A_161 = arith.shrui %get3A_160, %broadcast_in_dim3A_11 : vector<16xi32>
        %and3A_162 = arith.andi %get3A_160, %broadcast_in_dim3A_13 : vector<16xi32>
        tpu.vector_store_idx %arg13[%shift_right_logical3A_161, %and3A_162], %broadcast_in_dim3A_9 {add = true} : memref<640x16xf32, #tpu.memory_space<vmem>>[vector<16xi32>, vector<16xi32>], vector<16xf32>,
        %get3A_163 = arith.index_cast %mul3A_55 : i32 to index
        %get3A_164 = arith.constant 64 : index
        %get3A_165 = tpu.vector_load %arg11[%get3A_163, %get3A_164] {strides = array<i32>} : memref<158x128xi32, #tpu.memory_space<vmem>>, vector<16xi32>,
        %shift_right_logical3A_166 = arith.shrui %get3A_165, %broadcast_in_dim3A_11 : vector<16xi32>
        %and3A_167 = arith.andi %get3A_165, %broadcast_in_dim3A_13 : vector<16xi32>
        tpu.vector_store_idx %arg13[%shift_right_logical3A_166, %and3A_167], %broadcast_in_dim3A_9 {add = true} : memref<640x16xf32, #tpu.memory_space<vmem>>[vector<16xi32>, vector<16xi32>], vector<16xf32>,
        %get3A_168 = arith.index_cast %mul3A_55 : i32 to index
        %get3A_169 = arith.constant 80 : index
        %get3A_170 = tpu.vector_load %arg11[%get3A_168, %get3A_169] {strides = array<i32>} : memref<158x128xi32, #tpu.memory_space<vmem>>, vector<16xi32>,
        %shift_right_logical3A_171 = arith.shrui %get3A_170, %broadcast_in_dim3A_11 : vector<16xi32>
        %and3A_172 = arith.andi %get3A_170, %broadcast_in_dim3A_13 : vector<16xi32>
        tpu.vector_store_idx %arg13[%shift_right_logical3A_171, %and3A_172], %broadcast_in_dim3A_9 {add = true} : memref<640x16xf32, #tpu.memory_space<vmem>>[vector<16xi32>, vector<16xi32>], vector<16xf32>,
        %get3A_173 = arith.index_cast %mul3A_55 : i32 to index
        %get3A_174 = arith.constant 96 : index
        %get3A_175 = tpu.vector_load %arg11[%get3A_173, %get3A_174] {strides = array<i32>} : memref<158x128xi32, #tpu.memory_space<vmem>>, vector<16xi32>,
        %shift_right_logical3A_176 = arith.shrui %get3A_175, %broadcast_in_dim3A_11 : vector<16xi32>
        %and3A_177 = arith.andi %get3A_175, %broadcast_in_dim3A_13 : vector<16xi32>
        tpu.vector_store_idx %arg13[%shift_right_logical3A_176, %and3A_177], %broadcast_in_dim3A_9 {add = true} : memref<640x16xf32, #tpu.memory_space<vmem>>[vector<16xi32>, vector<16xi32>], vector<16xf32>,
        %get3A_178 = arith.index_cast %mul3A_55 : i32 to index
        %get3A_179 = arith.constant 112 : index
        %get3A_180 = tpu.vector_load %arg11[%get3A_178, %get3A_179] {strides = array<i32>} : memref<158x128xi32, #tpu.memory_space<vmem>>, vector<16xi32>,
        %shift_right_logical3A_181 = arith.shrui %get3A_180, %broadcast_in_dim3A_11 : vector<16xi32>
        %and3A_182 = arith.andi %get3A_180, %broadcast_in_dim3A_13 : vector<16xi32>
        tpu.vector_store_idx %arg13[%shift_right_logical3A_181, %and3A_182], %broadcast_in_dim3A_9 {add = true} : memref<640x16xf32, #tpu.memory_space<vmem>>[vector<16xi32>, vector<16xi32>], vector<16xf32>,
      } else {
      }
      %dma_wait3A_100 = arith.constant 0 : i32
      %dma_wait3A_101 = arith.constant 0 : i32
      %dma_wait3A_102 = arith.constant 0 : i32
      %dma_wait3A_103 = tpu.memref_slice %arg12[%dma_wait3A_100, %dma_wait3A_101, %dma_wait3A_102] : memref<2x128x64xbf16, #tpu.memory_space<vmem>> -> memref<1x128x64xbf16, #tpu.memory_space<vmem>>
      %dma_wait3A_104 = tpu.memref_squeeze %dma_wait3A_103 : memref<1x128x64xbf16, #tpu.memory_space<vmem>> -> memref<128x64xbf16, #tpu.memory_space<vmem>>
      %dma_wait3A_105 = arith.constant 0 : i32
      %dma_wait3A_106 = tpu.memref_slice %arg11[%mul3A_55, %dma_wait3A_105] : memref<158x128xi32, #tpu.memory_space<vmem>> -> memref<1x128xi32, #tpu.memory_space<vmem>>
      %dma_wait3A_107 = tpu.memref_squeeze %dma_wait3A_106 : memref<1x128xi32, #tpu.memory_space<vmem>> -> memref<128xi32, #tpu.memory_space<vmem>>
      %dma_wait3A_108 = arith.constant 0 : i32
      %dma_wait3A_109 = arith.constant 0 : i32
      %dma_wait3A_110 = tpu.memref_slice %arg15[%dma_wait3A_108, %dma_wait3A_109] : memref<10240x64xbf16, #tpu.memory_space<vmem_shared>> -> memref<10240x64xbf16, #tpu.memory_space<vmem_shared>>
      tpu.wait_indirect_dma semaphore(%arg20 : memref<!tpu.dma_semaphore, #tpu.memory_space<semaphore_mem>>) src(%dma_wait3A_104 : memref<128x64xbf16, #tpu.memory_space<vmem>>) dst(%dma_wait3A_110 : memref<10240x64xbf16, #tpu.memory_space<vmem_shared>>)
      %add3A_111 = arith.constant 1 : i32
      %add3A_112 = arith.addi %add3A_53, %add3A_111 : i32
      %lt3A = arith.constant 79 : i32
      %lt3A_113 = arith.cmpi slt, %add3A_112, %lt3A : i32
      %convert_element_type3A_114 = arith.extui %lt3A_113 : i1 to i32
      %cond3A_115 = arith.constant 0 : i32
      %cond3A_116 = arith.cmpi ne, %convert_element_type3A_114, %cond3A_115 : i32
      scf.if %cond3A_116 {
        %add3A_145 = arith.constant 2 : i32
        %add3A_146 = arith.addi %mul3A_55, %add3A_145 : i32
        %dma_start3A_147 = arith.constant 0 : i32
        %dma_start3A_148 = arith.constant 0 : i32
        %dma_start3A_149 = arith.constant 0 : i32
        %dma_start3A_150 = tpu.memref_slice %arg12[%dma_start3A_147, %dma_start3A_148, %dma_start3A_149] : memref<2x128x64xbf16, #tpu.memory_space<vmem>> -> memref<1x128x64xbf16, #tpu.memory_space<vmem>>
        %dma_start3A_151 = tpu.memref_squeeze %dma_start3A_150 : memref<1x128x64xbf16, #tpu.memory_space<vmem>> -> memref<128x64xbf16, #tpu.memory_space<vmem>>
        %dma_start3A_152 = arith.constant 0 : i32
        %dma_start3A_153 = tpu.memref_slice %arg10[%add3A_146, %dma_start3A_152] : memref<158x128xi32, #tpu.memory_space<vmem>> -> memref<1x128xi32, #tpu.memory_space<vmem>>
        %dma_start3A_154 = tpu.memref_squeeze %dma_start3A_153 : memref<1x128xi32, #tpu.memory_space<vmem>> -> memref<128xi32, #tpu.memory_space<vmem>>
        %dma_start3A_155 = arith.constant 0 : i32
        %dma_start3A_156 = arith.constant 0 : i32
        %dma_start3A_157 = tpu.memref_slice %arg16[%dma_start3A_155, %dma_start3A_156] : memref<10240x64xbf16, #tpu.memory_space<vmem_shared>> -> memref<10240x64xbf16, #tpu.memory_space<vmem_shared>>
        tpu.enqueue_indirect_dma source(%dma_start3A_157 : memref<10240x64xbf16, #tpu.memory_space<vmem_shared>>) target(%dma_start3A_151 : memref<128x64xbf16, #tpu.memory_space<vmem>>) offsets(%dma_start3A_154 : memref<128xi32, #tpu.memory_space<vmem>>) semaphore(%arg18 : memref<!tpu.dma_semaphore, #tpu.memory_space<semaphore_mem>>)
      } else {
      }
      %dma_wait3A_117 = arith.constant 1 : i32
      %dma_wait3A_118 = arith.constant 0 : i32
      %dma_wait3A_119 = arith.constant 0 : i32
      %dma_wait3A_120 = tpu.memref_slice %arg12[%dma_wait3A_117, %dma_wait3A_118, %dma_wait3A_119] : memref<2x128x64xbf16, #tpu.memory_space<vmem>> -> memref<1x128x64xbf16, #tpu.memory_space<vmem>>
      %dma_wait3A_121 = tpu.memref_squeeze %dma_wait3A_120 : memref<1x128x64xbf16, #tpu.memory_space<vmem>> -> memref<128x64xbf16, #tpu.memory_space<vmem>>
      %dma_wait3A_122 = arith.constant 0 : i32
      %dma_wait3A_123 = tpu.memref_slice %arg10[%add3A_57, %dma_wait3A_122] : memref<158x128xi32, #tpu.memory_space<vmem>> -> memref<1x128xi32, #tpu.memory_space<vmem>>
      %dma_wait3A_124 = tpu.memref_squeeze %dma_wait3A_123 : memref<1x128xi32, #tpu.memory_space<vmem>> -> memref<128xi32, #tpu.memory_space<vmem>>
      %dma_wait3A_125 = arith.constant 0 : i32
      %dma_wait3A_126 = arith.constant 0 : i32
      %dma_wait3A_127 = tpu.memref_slice %arg16[%dma_wait3A_125, %dma_wait3A_126] : memref<10240x64xbf16, #tpu.memory_space<vmem_shared>> -> memref<10240x64xbf16, #tpu.memory_space<vmem_shared>>
      tpu.wait_indirect_dma semaphore(%arg19 : memref<!tpu.dma_semaphore, #tpu.memory_space<semaphore_mem>>) src(%dma_wait3A_127 : memref<10240x64xbf16, #tpu.memory_space<vmem_shared>>) dst(%dma_wait3A_121 : memref<128x64xbf16, #tpu.memory_space<vmem>>)
      %dma_start3A_128 = arith.constant 1 : i32
      %dma_start3A_129 = arith.constant 0 : i32
      %dma_start3A_130 = arith.constant 0 : i32
      %dma_start3A_131 = tpu.memref_slice %arg12[%dma_start3A_128, %dma_start3A_129, %dma_start3A_130] : memref<2x128x64xbf16, #tpu.memory_space<vmem>> -> memref<1x128x64xbf16, #tpu.memory_space<vmem>>
      %dma_start3A_132 = tpu.memref_squeeze %dma_start3A_131 : memref<1x128x64xbf16, #tpu.memory_space<vmem>> -> memref<128x64xbf16, #tpu.memory_space<vmem>>
      %dma_start3A_133 = arith.constant 0 : i32
      %dma_start3A_134 = tpu.memref_slice %arg11[%add3A_57, %dma_start3A_133] : memref<158x128xi32, #tpu.memory_space<vmem>> -> memref<1x128xi32, #tpu.memory_space<vmem>>
      %dma_start3A_135 = tpu.memref_squeeze %dma_start3A_134 : memref<1x128xi32, #tpu.memory_space<vmem>> -> memref<128xi32, #tpu.memory_space<vmem>>
      %dma_start3A_136 = arith.constant 0 : i32
      %dma_start3A_137 = arith.constant 0 : i32
      %dma_start3A_138 = tpu.memref_slice %arg15[%dma_start3A_136, %dma_start3A_137] : memref<10240x64xbf16, #tpu.memory_space<vmem_shared>> -> memref<10240x64xbf16, #tpu.memory_space<vmem_shared>>
      tpu.enqueue_indirect_dma source(%dma_start3A_132 : memref<128x64xbf16, #tpu.memory_space<vmem>>) target(%dma_start3A_138 : memref<10240x64xbf16, #tpu.memory_space<vmem_shared>>) offsets(%dma_start3A_135 : memref<128xi32, #tpu.memory_space<vmem>>) semaphore(%arg21 : memref<!tpu.dma_semaphore, #tpu.memory_space<semaphore_mem>>) {add = true}
      %and3A_139 = arith.constant 1 : i32
      %and3A_140 = arith.andi %add3A_57, %and3A_139 : i32
      %eq3A_141 = arith.cmpi eq, %and3A_140, %arg0 : i32
      %convert_element_type3A_142 = arith.extui %eq3A_141 : i1 to i32
      %cond3A_143 = arith.constant 0 : i32
      %cond3A_144 = arith.cmpi ne, %convert_element_type3A_142, %cond3A_143 : i32
      scf.if %cond3A_144 {
        %get3A = arith.index_cast %add3A_57 : i32 to index
        %get3A_145 = arith.constant 0 : index
        %get3A_146 = tpu.vector_load %arg11[%get3A, %get3A_145] {strides = array<i32>} : memref<158x128xi32, #tpu.memory_space<vmem>>, vector<16xi32>,
        %shift_right_logical3A = arith.shrui %get3A_146, %broadcast_in_dim3A_11 : vector<16xi32>
        %and3A_147 = arith.andi %get3A_146, %broadcast_in_dim3A_13 : vector<16xi32>
        tpu.vector_store_idx %arg13[%shift_right_logical3A, %and3A_147], %broadcast_in_dim3A_9 {add = true} : memref<640x16xf32, #tpu.memory_space<vmem>>[vector<16xi32>, vector<16xi32>], vector<16xf32>,
        %get3A_148 = arith.index_cast %add3A_57 : i32 to index
        %get3A_149 = arith.constant 16 : index
        %get3A_150 = tpu.vector_load %arg11[%get3A_148, %get3A_149] {strides = array<i32>} : memref<158x128xi32, #tpu.memory_space<vmem>>, vector<16xi32>,
        %shift_right_logical3A_151 = arith.shrui %get3A_150, %broadcast_in_dim3A_11 : vector<16xi32>
        %and3A_152 = arith.andi %get3A_150, %broadcast_in_dim3A_13 : vector<16xi32>
        tpu.vector_store_idx %arg13[%shift_right_logical3A_151, %and3A_152], %broadcast_in_dim3A_9 {add = true} : memref<640x16xf32, #tpu.memory_space<vmem>>[vector<16xi32>, vector<16xi32>], vector<16xf32>,
        %get3A_153 = arith.index_cast %add3A_57 : i32 to index
        %get3A_154 = arith.constant 32 : index
        %get3A_155 = tpu.vector_load %arg11[%get3A_153, %get3A_154] {strides = array<i32>} : memref<158x128xi32, #tpu.memory_space<vmem>>, vector<16xi32>,
        %shift_right_logical3A_156 = arith.shrui %get3A_155, %broadcast_in_dim3A_11 : vector<16xi32>
        %and3A_157 = arith.andi %get3A_155, %broadcast_in_dim3A_13 : vector<16xi32>
        tpu.vector_store_idx %arg13[%shift_right_logical3A_156, %and3A_157], %broadcast_in_dim3A_9 {add = true} : memref<640x16xf32, #tpu.memory_space<vmem>>[vector<16xi32>, vector<16xi32>], vector<16xf32>,
        %get3A_158 = arith.index_cast %add3A_57 : i32 to index
        %get3A_159 = arith.constant 48 : index
        %get3A_160 = tpu.vector_load %arg11[%get3A_158, %get3A_159] {strides = array<i32>} : memref<158x128xi32, #tpu.memory_space<vmem>>, vector<16xi32>,
        %shift_right_logical3A_161 = arith.shrui %get3A_160, %broadcast_in_dim3A_11 : vector<16xi32>
        %and3A_162 = arith.andi %get3A_160, %broadcast_in_dim3A_13 : vector<16xi32>
        tpu.vector_store_idx %arg13[%shift_right_logical3A_161, %and3A_162], %broadcast_in_dim3A_9 {add = true} : memref<640x16xf32, #tpu.memory_space<vmem>>[vector<16xi32>, vector<16xi32>], vector<16xf32>,
        %get3A_163 = arith.index_cast %add3A_57 : i32 to index
        %get3A_164 = arith.constant 64 : index
        %get3A_165 = tpu.vector_load %arg11[%get3A_163, %get3A_164] {strides = array<i32>} : memref<158x128xi32, #tpu.memory_space<vmem>>, vector<16xi32>,
        %shift_right_logical3A_166 = arith.shrui %get3A_165, %broadcast_in_dim3A_11 : vector<16xi32>
        %and3A_167 = arith.andi %get3A_165, %broadcast_in_dim3A_13 : vector<16xi32>
        tpu.vector_store_idx %arg13[%shift_right_logical3A_166, %and3A_167], %broadcast_in_dim3A_9 {add = true} : memref<640x16xf32, #tpu.memory_space<vmem>>[vector<16xi32>, vector<16xi32>], vector<16xf32>,
        %get3A_168 = arith.index_cast %add3A_57 : i32 to index
        %get3A_169 = arith.constant 80 : index
        %get3A_170 = tpu.vector_load %arg11[%get3A_168, %get3A_169] {strides = array<i32>} : memref<158x128xi32, #tpu.memory_space<vmem>>, vector<16xi32>,
        %shift_right_logical3A_171 = arith.shrui %get3A_170, %broadcast_in_dim3A_11 : vector<16xi32>
        %and3A_172 = arith.andi %get3A_170, %broadcast_in_dim3A_13 : vector<16xi32>
        tpu.vector_store_idx %arg13[%shift_right_logical3A_171, %and3A_172], %broadcast_in_dim3A_9 {add = true} : memref<640x16xf32, #tpu.memory_space<vmem>>[vector<16xi32>, vector<16xi32>], vector<16xf32>,
        %get3A_173 = arith.index_cast %add3A_57 : i32 to index
        %get3A_174 = arith.constant 96 : index
        %get3A_175 = tpu.vector_load %arg11[%get3A_173, %get3A_174] {strides = array<i32>} : memref<158x128xi32, #tpu.memory_space<vmem>>, vector<16xi32>,
        %shift_right_logical3A_176 = arith.shrui %get3A_175, %broadcast_in_dim3A_11 : vector<16xi32>
        %and3A_177 = arith.andi %get3A_175, %broadcast_in_dim3A_13 : vector<16xi32>
        tpu.vector_store_idx %arg13[%shift_right_logical3A_176, %and3A_177], %broadcast_in_dim3A_9 {add = true} : memref<640x16xf32, #tpu.memory_space<vmem>>[vector<16xi32>, vector<16xi32>], vector<16xf32>,
        %get3A_178 = arith.index_cast %add3A_57 : i32 to index
        %get3A_179 = arith.constant 112 : index
        %get3A_180 = tpu.vector_load %arg11[%get3A_178, %get3A_179] {strides = array<i32>} : memref<158x128xi32, #tpu.memory_space<vmem>>, vector<16xi32>,
        %shift_right_logical3A_181 = arith.shrui %get3A_180, %broadcast_in_dim3A_11 : vector<16xi32>
        %and3A_182 = arith.andi %get3A_180, %broadcast_in_dim3A_13 : vector<16xi32>
        tpu.vector_store_idx %arg13[%shift_right_logical3A_181, %and3A_182], %broadcast_in_dim3A_9 {add = true} : memref<640x16xf32, #tpu.memory_space<vmem>>[vector<16xi32>, vector<16xi32>], vector<16xf32>,
      } else {
      }
    }
    %scan3A_28 = arith.constant 79 : i32
    %dma_wait3A = arith.constant 1 : i32
    %dma_wait3A_29 = arith.constant 157 : i32
    %dma_wait3A_30 = arith.constant 0 : i32
    %dma_wait3A_31 = arith.constant 0 : i32
    %dma_wait3A_32 = tpu.memref_slice %arg12[%dma_wait3A, %dma_wait3A_30, %dma_wait3A_31] : memref<2x128x64xbf16, #tpu.memory_space<vmem>> -> memref<1x128x64xbf16, #tpu.memory_space<vmem>>
    %dma_wait3A_33 = tpu.memref_squeeze %dma_wait3A_32 : memref<1x128x64xbf16, #tpu.memory_space<vmem>> -> memref<128x64xbf16, #tpu.memory_space<vmem>>
    %dma_wait3A_34 = arith.constant 0 : i32
    %dma_wait3A_35 = tpu.memref_slice %arg11[%dma_wait3A_29, %dma_wait3A_34] : memref<158x128xi32, #tpu.memory_space<vmem>> -> memref<1x128xi32, #tpu.memory_space<vmem>>
    %dma_wait3A_36 = tpu.memref_squeeze %dma_wait3A_35 : memref<1x128xi32, #tpu.memory_space<vmem>> -> memref<128xi32, #tpu.memory_space<vmem>>
    %dma_wait3A_37 = arith.constant 0 : i32
    %dma_wait3A_38 = arith.constant 0 : i32
    %dma_wait3A_39 = tpu.memref_slice %arg15[%dma_wait3A_37, %dma_wait3A_38] : memref<10240x64xbf16, #tpu.memory_space<vmem_shared>> -> memref<10240x64xbf16, #tpu.memory_space<vmem_shared>>
    tpu.wait_indirect_dma semaphore(%arg21 : memref<!tpu.dma_semaphore, #tpu.memory_space<semaphore_mem>>) src(%dma_wait3A_33 : memref<128x64xbf16, #tpu.memory_space<vmem>>) dst(%dma_wait3A_39 : memref<10240x64xbf16, #tpu.memory_space<vmem_shared>>)
    %barrier3A_40 = arith.constant 0 : index
    tpu.barrier barrier_id(%barrier3A_40)
    "tpu.region"() ({
      %run_scoped3A = tpu.sem_alloc : memref<!tpu.dma_semaphore, #tpu.memory_space<semaphore_mem>>
      %dma_start3A_50 = arith.constant 0 : i32
      %dma_start3A_51 = tpu.memref_slice %arg7[%dma_start3A_50] : memref<640xi32, #tpu.memory_space<hbm>> -> memref<128xi32, #tpu.memory_space<hbm>>
      %dma_start3A_52 = arith.constant 0 : i32
      %dma_start3A_53 = tpu.memref_slice %arg7[%dma_start3A_52] : memref<640xi32, #tpu.memory_space<hbm>> -> memref<128xi32, #tpu.memory_space<hbm>>
      tpu.enqueue_dma source(%dma_start3A_53 : memref<128xi32, #tpu.memory_space<hbm>>) target(%arg14 : memref<128xi32, #tpu.memory_space<vmem>>) target_semaphore(%run_scoped3A : memref<!tpu.dma_semaphore, #tpu.memory_space<semaphore_mem>>)
      %dma_wait3A_54 = arith.constant 0 : i32
      %dma_wait3A_55 = tpu.memref_slice %arg7[%dma_wait3A_54] : memref<640xi32, #tpu.memory_space<hbm>> -> memref<128xi32, #tpu.memory_space<hbm>>
      %dma_wait3A_56 = arith.constant 0 : i32
      %dma_wait3A_57 = tpu.memref_slice %arg7[%dma_wait3A_56] : memref<640xi32, #tpu.memory_space<hbm>> -> memref<128xi32, #tpu.memory_space<hbm>>
      tpu.wait_dma2 semaphore(%run_scoped3A : memref<!tpu.dma_semaphore, #tpu.memory_space<semaphore_mem>>) src(%dma_wait3A_57 : memref<128xi32, #tpu.memory_space<hbm>>) dst(%arg14 : memref<128xi32, #tpu.memory_space<vmem>>)
      tpu.yield
    }) : () -> ()
    "tpu.region"() ({
      %run_scoped3A = tpu.sem_alloc : memref<!tpu.dma_semaphore, #tpu.memory_space<semaphore_mem>>
      %dma_start3A_50 = arith.constant 0 : i32
      %dma_start3A_51 = arith.constant 0 : i32
      %dma_start3A_52 = tpu.memref_slice %arg13[%dma_start3A_50, %dma_start3A_51] : memref<640x16xf32, #tpu.memory_space<vmem>> -> memref<128x16xf32, #tpu.memory_space<vmem>>
      %dma_start3A_53 = arith.constant 0 : i32
      %dma_start3A_54 = arith.constant 0 : i32
      %dma_start3A_55 = tpu.memref_slice %arg17[%dma_start3A_53, %dma_start3A_54] : memref<640x16xf32, #tpu.memory_space<vmem_shared>> -> memref<640x16xf32, #tpu.memory_space<vmem_shared>>
      tpu.enqueue_indirect_dma source(%dma_start3A_52 : memref<128x16xf32, #tpu.memory_space<vmem>>) target(%dma_start3A_55 : memref<640x16xf32, #tpu.memory_space<vmem_shared>>) offsets(%arg14 : memref<128xi32, #tpu.memory_space<vmem>>) semaphore(%run_scoped3A : memref<!tpu.dma_semaphore, #tpu.memory_space<semaphore_mem>>) {add = true}
      %dma_wait3A_56 = arith.constant 0 : i32
      %dma_wait3A_57 = arith.constant 0 : i32
      %dma_wait3A_58 = tpu.memref_slice %arg13[%dma_wait3A_56, %dma_wait3A_57] : memref<640x16xf32, #tpu.memory_space<vmem>> -> memref<128x16xf32, #tpu.memory_space<vmem>>
      %dma_wait3A_59 = arith.constant 0 : i32
      %dma_wait3A_60 = arith.constant 0 : i32
      %dma_wait3A_61 = tpu.memref_slice %arg17[%dma_wait3A_59, %dma_wait3A_60] : memref<640x16xf32, #tpu.memory_space<vmem_shared>> -> memref<640x16xf32, #tpu.memory_space<vmem_shared>>
      tpu.wait_indirect_dma semaphore(%run_scoped3A : memref<!tpu.dma_semaphore, #tpu.memory_space<semaphore_mem>>) src(%dma_wait3A_58 : memref<128x16xf32, #tpu.memory_space<vmem>>) dst(%dma_wait3A_61 : memref<640x16xf32, #tpu.memory_space<vmem_shared>>)
      tpu.yield
    }) : () -> ()
    "tpu.region"() ({
      %run_scoped3A = tpu.sem_alloc : memref<!tpu.dma_semaphore, #tpu.memory_space<semaphore_mem>>
      %dma_start3A_50 = arith.constant 128 : i32
      %dma_start3A_51 = tpu.memref_slice %arg7[%dma_start3A_50] : memref<640xi32, #tpu.memory_space<hbm>> -> memref<128xi32, #tpu.memory_space<hbm>>
      %dma_start3A_52 = arith.constant 128 : i32
      %dma_start3A_53 = tpu.memref_slice %arg7[%dma_start3A_52] : memref<640xi32, #tpu.memory_space<hbm>> -> memref<128xi32, #tpu.memory_space<hbm>>
      tpu.enqueue_dma source(%dma_start3A_53 : memref<128xi32, #tpu.memory_space<hbm>>) target(%arg14 : memref<128xi32, #tpu.memory_space<vmem>>) target_semaphore(%run_scoped3A : memref<!tpu.dma_semaphore, #tpu.memory_space<semaphore_mem>>)
      %dma_wait3A_54 = arith.constant 128 : i32
      %dma_wait3A_55 = tpu.memref_slice %arg7[%dma_wait3A_54] : memref<640xi32, #tpu.memory_space<hbm>> -> memref<128xi32, #tpu.memory_space<hbm>>
      %dma_wait3A_56 = arith.constant 128 : i32
      %dma_wait3A_57 = tpu.memref_slice %arg7[%dma_wait3A_56] : memref<640xi32, #tpu.memory_space<hbm>> -> memref<128xi32, #tpu.memory_space<hbm>>
      tpu.wait_dma2 semaphore(%run_scoped3A : memref<!tpu.dma_semaphore, #tpu.memory_space<semaphore_mem>>) src(%dma_wait3A_57 : memref<128xi32, #tpu.memory_space<hbm>>) dst(%arg14 : memref<128xi32, #tpu.memory_space<vmem>>)
      tpu.yield
    }) : () -> ()
    "tpu.region"() ({
      %run_scoped3A = tpu.sem_alloc : memref<!tpu.dma_semaphore, #tpu.memory_space<semaphore_mem>>
      %dma_start3A_50 = arith.constant 128 : i32
      %dma_start3A_51 = arith.constant 0 : i32
      %dma_start3A_52 = tpu.memref_slice %arg13[%dma_start3A_50, %dma_start3A_51] : memref<640x16xf32, #tpu.memory_space<vmem>> -> memref<128x16xf32, #tpu.memory_space<vmem>>
      %dma_start3A_53 = arith.constant 0 : i32
      %dma_start3A_54 = arith.constant 0 : i32
      %dma_start3A_55 = tpu.memref_slice %arg17[%dma_start3A_53, %dma_start3A_54] : memref<640x16xf32, #tpu.memory_space<vmem_shared>> -> memref<640x16xf32, #tpu.memory_space<vmem_shared>>
      tpu.enqueue_indirect_dma source(%dma_start3A_52 : memref<128x16xf32, #tpu.memory_space<vmem>>) target(%dma_start3A_55 : memref<640x16xf32, #tpu.memory_space<vmem_shared>>) offsets(%arg14 : memref<128xi32, #tpu.memory_space<vmem>>) semaphore(%run_scoped3A : memref<!tpu.dma_semaphore, #tpu.memory_space<semaphore_mem>>) {add = true}
      %dma_wait3A_56 = arith.constant 128 : i32
      %dma_wait3A_57 = arith.constant 0 : i32
      %dma_wait3A_58 = tpu.memref_slice %arg13[%dma_wait3A_56, %dma_wait3A_57] : memref<640x16xf32, #tpu.memory_space<vmem>> -> memref<128x16xf32, #tpu.memory_space<vmem>>
      %dma_wait3A_59 = arith.constant 0 : i32
      %dma_wait3A_60 = arith.constant 0 : i32
      %dma_wait3A_61 = tpu.memref_slice %arg17[%dma_wait3A_59, %dma_wait3A_60] : memref<640x16xf32, #tpu.memory_space<vmem_shared>> -> memref<640x16xf32, #tpu.memory_space<vmem_shared>>
      tpu.wait_indirect_dma semaphore(%run_scoped3A : memref<!tpu.dma_semaphore, #tpu.memory_space<semaphore_mem>>) src(%dma_wait3A_58 : memref<128x16xf32, #tpu.memory_space<vmem>>) dst(%dma_wait3A_61 : memref<640x16xf32, #tpu.memory_space<vmem_shared>>)
      tpu.yield
    }) : () -> ()
    "tpu.region"() ({
      %run_scoped3A = tpu.sem_alloc : memref<!tpu.dma_semaphore, #tpu.memory_space<semaphore_mem>>
      %dma_start3A_50 = arith.constant 256 : i32
      %dma_start3A_51 = tpu.memref_slice %arg7[%dma_start3A_50] : memref<640xi32, #tpu.memory_space<hbm>> -> memref<128xi32, #tpu.memory_space<hbm>>
      %dma_start3A_52 = arith.constant 256 : i32
      %dma_start3A_53 = tpu.memref_slice %arg7[%dma_start3A_52] : memref<640xi32, #tpu.memory_space<hbm>> -> memref<128xi32, #tpu.memory_space<hbm>>
      tpu.enqueue_dma source(%dma_start3A_53 : memref<128xi32, #tpu.memory_space<hbm>>) target(%arg14 : memref<128xi32, #tpu.memory_space<vmem>>) target_semaphore(%run_scoped3A : memref<!tpu.dma_semaphore, #tpu.memory_space<semaphore_mem>>)
      %dma_wait3A_54 = arith.constant 256 : i32
      %dma_wait3A_55 = tpu.memref_slice %arg7[%dma_wait3A_54] : memref<640xi32, #tpu.memory_space<hbm>> -> memref<128xi32, #tpu.memory_space<hbm>>
      %dma_wait3A_56 = arith.constant 256 : i32
      %dma_wait3A_57 = tpu.memref_slice %arg7[%dma_wait3A_56] : memref<640xi32, #tpu.memory_space<hbm>> -> memref<128xi32, #tpu.memory_space<hbm>>
      tpu.wait_dma2 semaphore(%run_scoped3A : memref<!tpu.dma_semaphore, #tpu.memory_space<semaphore_mem>>) src(%dma_wait3A_57 : memref<128xi32, #tpu.memory_space<hbm>>) dst(%arg14 : memref<128xi32, #tpu.memory_space<vmem>>)
      tpu.yield
    }) : () -> ()
    "tpu.region"() ({
      %run_scoped3A = tpu.sem_alloc : memref<!tpu.dma_semaphore, #tpu.memory_space<semaphore_mem>>
      %dma_start3A_50 = arith.constant 256 : i32
      %dma_start3A_51 = arith.constant 0 : i32
      %dma_start3A_52 = tpu.memref_slice %arg13[%dma_start3A_50, %dma_start3A_51] : memref<640x16xf32, #tpu.memory_space<vmem>> -> memref<128x16xf32, #tpu.memory_space<vmem>>
      %dma_start3A_53 = arith.constant 0 : i32
      %dma_start3A_54 = arith.constant 0 : i32
      %dma_start3A_55 = tpu.memref_slice %arg17[%dma_start3A_53, %dma_start3A_54] : memref<640x16xf32, #tpu.memory_space<vmem_shared>> -> memref<640x16xf32, #tpu.memory_space<vmem_shared>>
      tpu.enqueue_indirect_dma source(%dma_start3A_52 : memref<128x16xf32, #tpu.memory_space<vmem>>) target(%dma_start3A_55 : memref<640x16xf32, #tpu.memory_space<vmem_shared>>) offsets(%arg14 : memref<128xi32, #tpu.memory_space<vmem>>) semaphore(%run_scoped3A : memref<!tpu.dma_semaphore, #tpu.memory_space<semaphore_mem>>) {add = true}
      %dma_wait3A_56 = arith.constant 256 : i32
      %dma_wait3A_57 = arith.constant 0 : i32
      %dma_wait3A_58 = tpu.memref_slice %arg13[%dma_wait3A_56, %dma_wait3A_57] : memref<640x16xf32, #tpu.memory_space<vmem>> -> memref<128x16xf32, #tpu.memory_space<vmem>>
      %dma_wait3A_59 = arith.constant 0 : i32
      %dma_wait3A_60 = arith.constant 0 : i32
      %dma_wait3A_61 = tpu.memref_slice %arg17[%dma_wait3A_59, %dma_wait3A_60] : memref<640x16xf32, #tpu.memory_space<vmem_shared>> -> memref<640x16xf32, #tpu.memory_space<vmem_shared>>
      tpu.wait_indirect_dma semaphore(%run_scoped3A : memref<!tpu.dma_semaphore, #tpu.memory_space<semaphore_mem>>) src(%dma_wait3A_58 : memref<128x16xf32, #tpu.memory_space<vmem>>) dst(%dma_wait3A_61 : memref<640x16xf32, #tpu.memory_space<vmem_shared>>)
      tpu.yield
    }) : () -> ()
    "tpu.region"() ({
      %run_scoped3A = tpu.sem_alloc : memref<!tpu.dma_semaphore, #tpu.memory_space<semaphore_mem>>
      %dma_start3A_50 = arith.constant 384 : i32
      %dma_start3A_51 = tpu.memref_slice %arg7[%dma_start3A_50] : memref<640xi32, #tpu.memory_space<hbm>> -> memref<128xi32, #tpu.memory_space<hbm>>
      %dma_start3A_52 = arith.constant 384 : i32
      %dma_start3A_53 = tpu.memref_slice %arg7[%dma_start3A_52] : memref<640xi32, #tpu.memory_space<hbm>> -> memref<128xi32, #tpu.memory_space<hbm>>
      tpu.enqueue_dma source(%dma_start3A_53 : memref<128xi32, #tpu.memory_space<hbm>>) target(%arg14 : memref<128xi32, #tpu.memory_space<vmem>>) target_semaphore(%run_scoped3A : memref<!tpu.dma_semaphore, #tpu.memory_space<semaphore_mem>>)
      %dma_wait3A_54 = arith.constant 384 : i32
      %dma_wait3A_55 = tpu.memref_slice %arg7[%dma_wait3A_54] : memref<640xi32, #tpu.memory_space<hbm>> -> memref<128xi32, #tpu.memory_space<hbm>>
      %dma_wait3A_56 = arith.constant 384 : i32
      %dma_wait3A_57 = tpu.memref_slice %arg7[%dma_wait3A_56] : memref<640xi32, #tpu.memory_space<hbm>> -> memref<128xi32, #tpu.memory_space<hbm>>
      tpu.wait_dma2 semaphore(%run_scoped3A : memref<!tpu.dma_semaphore, #tpu.memory_space<semaphore_mem>>) src(%dma_wait3A_57 : memref<128xi32, #tpu.memory_space<hbm>>) dst(%arg14 : memref<128xi32, #tpu.memory_space<vmem>>)
      tpu.yield
    }) : () -> ()
    "tpu.region"() ({
      %run_scoped3A = tpu.sem_alloc : memref<!tpu.dma_semaphore, #tpu.memory_space<semaphore_mem>>
      %dma_start3A_50 = arith.constant 384 : i32
      %dma_start3A_51 = arith.constant 0 : i32
      %dma_start3A_52 = tpu.memref_slice %arg13[%dma_start3A_50, %dma_start3A_51] : memref<640x16xf32, #tpu.memory_space<vmem>> -> memref<128x16xf32, #tpu.memory_space<vmem>>
      %dma_start3A_53 = arith.constant 0 : i32
      %dma_start3A_54 = arith.constant 0 : i32
      %dma_start3A_55 = tpu.memref_slice %arg17[%dma_start3A_53, %dma_start3A_54] : memref<640x16xf32, #tpu.memory_space<vmem_shared>> -> memref<640x16xf32, #tpu.memory_space<vmem_shared>>
      tpu.enqueue_indirect_dma source(%dma_start3A_52 : memref<128x16xf32, #tpu.memory_space<vmem>>) target(%dma_start3A_55 : memref<640x16xf32, #tpu.memory_space<vmem_shared>>) offsets(%arg14 : memref<128xi32, #tpu.memory_space<vmem>>) semaphore(%run_scoped3A : memref<!tpu.dma_semaphore, #tpu.memory_space<semaphore_mem>>) {add = true}
      %dma_wait3A_56 = arith.constant 384 : i32
      %dma_wait3A_57 = arith.constant 0 : i32
      %dma_wait3A_58 = tpu.memref_slice %arg13[%dma_wait3A_56, %dma_wait3A_57] : memref<640x16xf32, #tpu.memory_space<vmem>> -> memref<128x16xf32, #tpu.memory_space<vmem>>
      %dma_wait3A_59 = arith.constant 0 : i32
      %dma_wait3A_60 = arith.constant 0 : i32
      %dma_wait3A_61 = tpu.memref_slice %arg17[%dma_wait3A_59, %dma_wait3A_60] : memref<640x16xf32, #tpu.memory_space<vmem_shared>> -> memref<640x16xf32, #tpu.memory_space<vmem_shared>>
      tpu.wait_indirect_dma semaphore(%run_scoped3A : memref<!tpu.dma_semaphore, #tpu.memory_space<semaphore_mem>>) src(%dma_wait3A_58 : memref<128x16xf32, #tpu.memory_space<vmem>>) dst(%dma_wait3A_61 : memref<640x16xf32, #tpu.memory_space<vmem_shared>>)
      tpu.yield
    }) : () -> ()
    "tpu.region"() ({
      %run_scoped3A = tpu.sem_alloc : memref<!tpu.dma_semaphore, #tpu.memory_space<semaphore_mem>>
      %dma_start3A_50 = arith.constant 512 : i32
      %dma_start3A_51 = tpu.memref_slice %arg7[%dma_start3A_50] : memref<640xi32, #tpu.memory_space<hbm>> -> memref<128xi32, #tpu.memory_space<hbm>>
      %dma_start3A_52 = arith.constant 512 : i32
      %dma_start3A_53 = tpu.memref_slice %arg7[%dma_start3A_52] : memref<640xi32, #tpu.memory_space<hbm>> -> memref<128xi32, #tpu.memory_space<hbm>>
      tpu.enqueue_dma source(%dma_start3A_53 : memref<128xi32, #tpu.memory_space<hbm>>) target(%arg14 : memref<128xi32, #tpu.memory_space<vmem>>) target_semaphore(%run_scoped3A : memref<!tpu.dma_semaphore, #tpu.memory_space<semaphore_mem>>)
      %dma_wait3A_54 = arith.constant 512 : i32
      %dma_wait3A_55 = tpu.memref_slice %arg7[%dma_wait3A_54] : memref<640xi32, #tpu.memory_space<hbm>> -> memref<128xi32, #tpu.memory_space<hbm>>
      %dma_wait3A_56 = arith.constant 512 : i32
      %dma_wait3A_57 = tpu.memref_slice %arg7[%dma_wait3A_56] : memref<640xi32, #tpu.memory_space<hbm>> -> memref<128xi32, #tpu.memory_space<hbm>>
      tpu.wait_dma2 semaphore(%run_scoped3A : memref<!tpu.dma_semaphore, #tpu.memory_space<semaphore_mem>>) src(%dma_wait3A_57 : memref<128xi32, #tpu.memory_space<hbm>>) dst(%arg14 : memref<128xi32, #tpu.memory_space<vmem>>)
      tpu.yield
    }) : () -> ()
    "tpu.region"() ({
      %run_scoped3A = tpu.sem_alloc : memref<!tpu.dma_semaphore, #tpu.memory_space<semaphore_mem>>
      %dma_start3A_50 = arith.constant 512 : i32
      %dma_start3A_51 = arith.constant 0 : i32
      %dma_start3A_52 = tpu.memref_slice %arg13[%dma_start3A_50, %dma_start3A_51] : memref<640x16xf32, #tpu.memory_space<vmem>> -> memref<128x16xf32, #tpu.memory_space<vmem>>
      %dma_start3A_53 = arith.constant 0 : i32
      %dma_start3A_54 = arith.constant 0 : i32
      %dma_start3A_55 = tpu.memref_slice %arg17[%dma_start3A_53, %dma_start3A_54] : memref<640x16xf32, #tpu.memory_space<vmem_shared>> -> memref<640x16xf32, #tpu.memory_space<vmem_shared>>
      tpu.enqueue_indirect_dma source(%dma_start3A_52 : memref<128x16xf32, #tpu.memory_space<vmem>>) target(%dma_start3A_55 : memref<640x16xf32, #tpu.memory_space<vmem_shared>>) offsets(%arg14 : memref<128xi32, #tpu.memory_space<vmem>>) semaphore(%run_scoped3A : memref<!tpu.dma_semaphore, #tpu.memory_space<semaphore_mem>>) {add = true}
      %dma_wait3A_56 = arith.constant 512 : i32
      %dma_wait3A_57 = arith.constant 0 : i32
      %dma_wait3A_58 = tpu.memref_slice %arg13[%dma_wait3A_56, %dma_wait3A_57] : memref<640x16xf32, #tpu.memory_space<vmem>> -> memref<128x16xf32, #tpu.memory_space<vmem>>
      %dma_wait3A_59 = arith.constant 0 : i32
      %dma_wait3A_60 = arith.constant 0 : i32
      %dma_wait3A_61 = tpu.memref_slice %arg17[%dma_wait3A_59, %dma_wait3A_60] : memref<640x16xf32, #tpu.memory_space<vmem_shared>> -> memref<640x16xf32, #tpu.memory_space<vmem_shared>>
      tpu.wait_indirect_dma semaphore(%run_scoped3A : memref<!tpu.dma_semaphore, #tpu.memory_space<semaphore_mem>>) src(%dma_wait3A_58 : memref<128x16xf32, #tpu.memory_space<vmem>>) dst(%dma_wait3A_61 : memref<640x16xf32, #tpu.memory_space<vmem_shared>>)
      tpu.yield
    }) : () -> ()
    %mul3A_41 = arith.constant 640 : i32
    %mul3A_42 = arith.muli %arg1, %mul3A_41 : i32
    %mul3A_43 = arith.constant 640 : i32
    %mul3A_44 = arith.muli %arg1, %mul3A_43 : i32
    "tpu.region"() ({
      %run_scoped3A = tpu.sem_alloc : memref<!tpu.dma_semaphore, #tpu.memory_space<semaphore_mem>>
      %dma_start3A_50 = arith.constant 0 : i32
      %dma_start3A_51 = tpu.memref_slice %arg8[%arg0, %mul3A_44, %dma_start3A_50] : memref<2x10240x64xbf16, #tpu.memory_space<hbm>> -> memref<1x640x64xbf16, #tpu.memory_space<hbm>>
      %dma_start3A_52 = tpu.memref_squeeze %dma_start3A_51 : memref<1x640x64xbf16, #tpu.memory_space<hbm>> -> memref<640x64xbf16, #tpu.memory_space<hbm>>
      %dma_start3A_53 = arith.constant 0 : i32
      %dma_start3A_54 = tpu.memref_slice %arg15[%mul3A_42, %dma_start3A_53] : memref<10240x64xbf16, #tpu.memory_space<vmem_shared>> -> memref<640x64xbf16, #tpu.memory_space<vmem_shared>>
      tpu.enqueue_dma source(%dma_start3A_54 : memref<640x64xbf16, #tpu.memory_space<vmem_shared>>) target(%dma_start3A_52 : memref<640x64xbf16, #tpu.memory_space<hbm>>) target_semaphore(%run_scoped3A : memref<!tpu.dma_semaphore, #tpu.memory_space<semaphore_mem>>)
      %dma_wait3A_55 = arith.constant 0 : i32
      %dma_wait3A_56 = tpu.memref_slice %arg8[%arg0, %mul3A_44, %dma_wait3A_55] : memref<2x10240x64xbf16, #tpu.memory_space<hbm>> -> memref<1x640x64xbf16, #tpu.memory_space<hbm>>
      %dma_wait3A_57 = tpu.memref_squeeze %dma_wait3A_56 : memref<1x640x64xbf16, #tpu.memory_space<hbm>> -> memref<640x64xbf16, #tpu.memory_space<hbm>>
      %dma_wait3A_58 = arith.constant 0 : i32
      %dma_wait3A_59 = tpu.memref_slice %arg15[%mul3A_42, %dma_wait3A_58] : memref<10240x64xbf16, #tpu.memory_space<vmem_shared>> -> memref<640x64xbf16, #tpu.memory_space<vmem_shared>>
      tpu.wait_dma2 semaphore(%run_scoped3A : memref<!tpu.dma_semaphore, #tpu.memory_space<semaphore_mem>>) src(%dma_wait3A_59 : memref<640x64xbf16, #tpu.memory_space<vmem_shared>>) dst(%dma_wait3A_57 : memref<640x64xbf16, #tpu.memory_space<hbm>>)
      tpu.yield
    }) : () -> ()
    %barrier3A_45 = arith.constant 0 : index
    tpu.barrier barrier_id(%barrier3A_45)
    %mul3A_46 = arith.constant 40 : i32
    %mul3A_47 = arith.muli %arg1, %mul3A_46 : i32
    %mul3A_48 = arith.constant 40 : i32
    %mul3A_49 = arith.muli %arg1, %mul3A_48 : i32
    "tpu.region"() ({
      %run_scoped3A = tpu.sem_alloc : memref<!tpu.dma_semaphore, #tpu.memory_space<semaphore_mem>>
      %dma_start3A_50 = arith.constant 0 : i32
      %dma_start3A_51 = tpu.memref_slice %arg9[%arg0, %mul3A_49, %dma_start3A_50] : memref<2x640x16xf32, #tpu.memory_space<hbm>> -> memref<1x40x16xf32, #tpu.memory_space<hbm>>
      %dma_start3A_52 = tpu.memref_squeeze %dma_start3A_51 : memref<1x40x16xf32, #tpu.memory_space<hbm>> -> memref<40x16xf32, #tpu.memory_space<hbm>>
      %dma_start3A_53 = arith.constant 0 : i32
      %dma_start3A_54 = tpu.memref_slice %arg17[%mul3A_47, %dma_start3A_53] : memref<640x16xf32, #tpu.memory_space<vmem_shared>> -> memref<40x16xf32, #tpu.memory_space<vmem_shared>>
      tpu.enqueue_dma source(%dma_start3A_54 : memref<40x16xf32, #tpu.memory_space<vmem_shared>>) target(%dma_start3A_52 : memref<40x16xf32, #tpu.memory_space<hbm>>) target_semaphore(%run_scoped3A : memref<!tpu.dma_semaphore, #tpu.memory_space<semaphore_mem>>)
      %dma_wait3A_55 = arith.constant 0 : i32
      %dma_wait3A_56 = tpu.memref_slice %arg9[%arg0, %mul3A_49, %dma_wait3A_55] : memref<2x640x16xf32, #tpu.memory_space<hbm>> -> memref<1x40x16xf32, #tpu.memory_space<hbm>>
      %dma_wait3A_57 = tpu.memref_squeeze %dma_wait3A_56 : memref<1x40x16xf32, #tpu.memory_space<hbm>> -> memref<40x16xf32, #tpu.memory_space<hbm>>
      %dma_wait3A_58 = arith.constant 0 : i32
      %dma_wait3A_59 = tpu.memref_slice %arg17[%mul3A_47, %dma_wait3A_58] : memref<640x16xf32, #tpu.memory_space<vmem_shared>> -> memref<40x16xf32, #tpu.memory_space<vmem_shared>>
      tpu.wait_dma2 semaphore(%run_scoped3A : memref<!tpu.dma_semaphore, #tpu.memory_space<semaphore_mem>>) src(%dma_wait3A_59 : memref<40x16xf32, #tpu.memory_space<vmem_shared>>) dst(%dma_wait3A_57 : memref<40x16xf32, #tpu.memory_space<hbm>>)
      tpu.yield
    }) : () -> ()
    return
  }
}

module attributes {stable_mosaic.version = 14 : i64} {
  func.func @body(%arg0: i32, %arg1: memref<2000x128xbf16, #tpu.memory_space<vmem>>, %arg2: memref<128x128xbf16, #tpu.memory_space<vmem>>, %arg3: memref<1x128xf32, #tpu.memory_space<vmem>>, %arg4: memref<2000x128xf32, #tpu.memory_space<vmem>>) attributes {dimension_semantics = [#tpu.dimension_semantics<arbitrary>], iteration_bounds = array<i64: 5>, scalar_prefetch = 0 : i64, scratch_operands = 0 : i64, tpu.core_type = #tpu.core_type<tc>, window_params = [{transform_indices = @transform_0, window_bounds = array<i64: 2000, 128>}, {pipeline_mode = #tpu.pipeline_mode<synchronous>, transform_indices = @transform_1, window_bounds = array<i64: 128, 128>}, {pipeline_mode = #tpu.pipeline_mode<synchronous>, transform_indices = @transform_2, window_bounds = array<i64: 1, 128>}, {transform_indices = @transform_3, window_bounds = array<i64: 2000, 128>}]} {
    %get3A = arith.constant 0 : index
    %get3A_0 = arith.constant 0 : index
    %get3A_1 = vector.load %arg1[%get3A, %get3A_0] : memref<2000x128xbf16, #tpu.memory_space<vmem>>, vector<2000x128xbf16>
    %get3A_2 = arith.constant 0 : index
    %get3A_3 = arith.constant 0 : index
    %get3A_4 = vector.load %arg2[%get3A_2, %get3A_3] : memref<128x128xbf16, #tpu.memory_space<vmem>>, vector<128x128xbf16>
    %dot_general3A = arith.constant dense<0.000000e+00> : vector<2000x128xf32>
    %dot_general3A_5 = tpu.matmul %get3A_1, %get3A_4, %dot_general3A {dimension_numbers = #tpu.dot_dimension_numbers<[1], [0], [0], [1], [0, 0, 1, 1], [], []>, transpose_lhs_hint = false} : vector<2000x128xbf16>, vector<128x128xbf16>, vector<2000x128xf32> -> vector<2000x128xf32>
    %get3A_6 = arith.constant 0 : index
    %get3A_7 = arith.constant 0 : index
    %get3A_8 = vector.load %arg3[%get3A_6, %get3A_7] : memref<1x128xf32, #tpu.memory_space<vmem>>, vector<1x128xf32>
    %add3A = vector.broadcast %get3A_8 : vector<1x128xf32> to vector<2000x128xf32>
    %add3A_9 = arith.addf %dot_general3A_5, %add3A : vector<2000x128xf32>
    %swap3A = arith.constant 0 : index
    %swap3A_10 = arith.constant 0 : index
    %swap3A_11 = vector.load %arg4[%swap3A, %swap3A_10] : memref<2000x128xf32, #tpu.memory_space<vmem>>, vector<2000x128xf32>
    tpu.vector_store %arg4[%swap3A, %swap3A_10], %add3A_9 {strides = array<i32>} : memref<2000x128xf32, #tpu.memory_space<vmem>>, vector<2000x128xf32>,
    return
  }
  func.func @transform_0(%arg0: i32) -> (i32, i32) {
    %c0_i32 = arith.constant 0 : i32
    %c0_i32_0 = arith.constant 0 : i32
    return %arg0, %c0_i32 : i32, i32
  }
  func.func @transform_1(%arg0: i32) -> (i32, i32) {
    %c0_i32 = arith.constant 0 : i32
    %c0_i32_0 = arith.constant 0 : i32
    %c0_i32_1 = arith.constant 0 : i32
    return %c0_i32, %c0_i32_0 : i32, i32
  }
  func.func @transform_2(%arg0: i32) -> (i32, i32) {
    %c0_i32 = arith.constant 0 : i32
    %c0_i32_0 = arith.constant 0 : i32
    %c0_i32_1 = arith.constant 0 : i32
    return %c0_i32, %c0_i32_0 : i32, i32
  }
  func.func @transform_3(%arg0: i32) -> (i32, i32) {
    %c0_i32 = arith.constant 0 : i32
    %c0_i32_0 = arith.constant 0 : i32
    return %arg0, %c0_i32 : i32, i32
  }
}

module attributes {stable_mosaic.version = 14 : i64} {
  func.func @body(%arg0: i32, %arg1: memref<2x2000x64xbf16, #tpu.memory_space<vmem>>, %arg2: memref<2x2000x1xf32, #tpu.memory_space<vmem>>, %arg3: memref<2000x128xf32, #tpu.memory_space<vmem>>, %arg4: memref<128x128xf32, #tpu.memory_space<vmem>>, %arg5: memref<2000x128xf32, #tpu.memory_space<vmem>>) attributes {dimension_semantics = [#tpu.dimension_semantics<arbitrary>], iteration_bounds = array<i64: 5>, scalar_prefetch = 0 : i64, scratch_operands = 0 : i64, tpu.core_type = #tpu.core_type<tc>, window_params = [{transform_indices = @transform_0, window_bounds = array<i64: 2, 2000, 64>}, {transform_indices = @transform_1, window_bounds = array<i64: 2, 2000, 1>}, {transform_indices = @transform_2, window_bounds = array<i64: 2000, 128>}, {pipeline_mode = #tpu.pipeline_mode<synchronous>, transform_indices = @transform_3, window_bounds = array<i64: 128, 128>}, {transform_indices = @transform_4, window_bounds = array<i64: 2000, 128>}]} {
    %get3A = arith.constant 0 : index
    %get3A_0 = arith.constant 0 : index
    %get3A_1 = arith.constant 0 : index
    %get3A_2 = vector.load %arg2[%get3A, %get3A_0, %get3A_1] : memref<2x2000x1xf32, #tpu.memory_space<vmem>>, vector<1x2000x1xf32>
    %get3A_3 = vector.shape_cast %get3A_2 : vector<1x2000x1xf32> to vector<2000x1xf32>
    %get3A_4 = arith.constant 1 : index
    %get3A_5 = arith.constant 0 : index
    %get3A_6 = arith.constant 0 : index
    %get3A_7 = vector.load %arg2[%get3A_4, %get3A_5, %get3A_6] : memref<2x2000x1xf32, #tpu.memory_space<vmem>>, vector<1x2000x1xf32>
    %get3A_8 = vector.shape_cast %get3A_7 : vector<1x2000x1xf32> to vector<2000x1xf32>
    %add3A = arith.addf %get3A_3, %get3A_8 : vector<2000x1xf32>
    %jit3A = arith.constant 1.000000e+00 : f32
    %max3A = vector.broadcast %jit3A : f32 to vector<2000x1xf32>
    %max3A_9 = arith.maximumf %max3A, %add3A : vector<2000x1xf32>
    %get3A_10 = arith.constant 0 : index
    %get3A_11 = arith.constant 0 : index
    %get3A_12 = arith.constant 0 : index
    %get3A_13 = vector.load %arg1[%get3A_10, %get3A_11, %get3A_12] : memref<2x2000x64xbf16, #tpu.memory_space<vmem>>, vector<1x2000x64xbf16>
    %get3A_14 = vector.shape_cast %get3A_13 : vector<1x2000x64xbf16> to vector<2000x64xbf16>
    %convert_element_type3A = arith.extf %get3A_14 : vector<2000x64xbf16> to vector<2000x64xf32>
    %div3A = vector.broadcast %max3A_9 : vector<2000x1xf32> to vector<2000x64xf32>
    %div3A_15 = arith.divf %convert_element_type3A, %div3A : vector<2000x64xf32>
    %get3A_16 = arith.constant 1 : index
    %get3A_17 = arith.constant 0 : index
    %get3A_18 = arith.constant 0 : index
    %get3A_19 = vector.load %arg1[%get3A_16, %get3A_17, %get3A_18] : memref<2x2000x64xbf16, #tpu.memory_space<vmem>>, vector<1x2000x64xbf16>
    %get3A_20 = vector.shape_cast %get3A_19 : vector<1x2000x64xbf16> to vector<2000x64xbf16>
    %convert_element_type3A_21 = arith.extf %get3A_20 : vector<2000x64xbf16> to vector<2000x64xf32>
    %div3A_22 = vector.broadcast %max3A_9 : vector<2000x1xf32> to vector<2000x64xf32>
    %div3A_23 = arith.divf %convert_element_type3A_21, %div3A_22 : vector<2000x64xf32>
    %get3A_24 = arith.constant 0 : index
    %get3A_25 = arith.constant 0 : index
    %get3A_26 = vector.load %arg4[%get3A_24, %get3A_25] : memref<128x128xf32, #tpu.memory_space<vmem>>, vector<128x128xf32>
    %slice3A = vector.extract_strided_slice %get3A_26 {offsets = [0, 0], sizes = [64, 128], strides = [1, 1]} : vector<128x128xf32> to vector<64x128xf32>
    %dot_general3A = arith.constant dense<0.000000e+00> : vector<2000x128xf32>
    %dot_general3A_27 = tpu.matmul %div3A_15, %slice3A, %dot_general3A {dimension_numbers = #tpu.dot_dimension_numbers<[1], [0], [0], [1], [0, 0, 1, 1], [], []>, transpose_lhs_hint = false} : vector<2000x64xf32>, vector<64x128xf32>, vector<2000x128xf32> -> vector<2000x128xf32>
    %slice3A_28 = vector.extract_strided_slice %get3A_26 {offsets = [64, 0], sizes = [64, 128], strides = [1, 1]} : vector<128x128xf32> to vector<64x128xf32>
    %dot_general3A_29 = arith.constant dense<0.000000e+00> : vector<2000x128xf32>
    %dot_general3A_30 = tpu.matmul %div3A_23, %slice3A_28, %dot_general3A_29 {dimension_numbers = #tpu.dot_dimension_numbers<[1], [0], [0], [1], [0, 0, 1, 1], [], []>, transpose_lhs_hint = false} : vector<2000x64xf32>, vector<64x128xf32>, vector<2000x128xf32> -> vector<2000x128xf32>
    %add3A_31 = arith.addf %dot_general3A_27, %dot_general3A_30 : vector<2000x128xf32>
    %get3A_32 = arith.constant 0 : index
    %get3A_33 = arith.constant 0 : index
    %get3A_34 = vector.load %arg3[%get3A_32, %get3A_33] : memref<2000x128xf32, #tpu.memory_space<vmem>>, vector<2000x128xf32>
    %add3A_35 = arith.addf %add3A_31, %get3A_34 : vector<2000x128xf32>
    %swap3A = arith.constant 0 : index
    %swap3A_36 = arith.constant 0 : index
    %swap3A_37 = vector.load %arg5[%swap3A, %swap3A_36] : memref<2000x128xf32, #tpu.memory_space<vmem>>, vector<2000x128xf32>
    tpu.vector_store %arg5[%swap3A, %swap3A_36], %add3A_35 {strides = array<i32>} : memref<2000x128xf32, #tpu.memory_space<vmem>>, vector<2000x128xf32>,
    return
  }
  func.func @transform_0(%arg0: i32) -> (i32, i32, i32) {
    %c0_i32 = arith.constant 0 : i32
    %c0_i32_0 = arith.constant 0 : i32
    %c0_i32_1 = arith.constant 0 : i32
    return %c0_i32, %arg0, %c0_i32_0 : i32, i32, i32
  }
  func.func @transform_1(%arg0: i32) -> (i32, i32, i32) {
    %c0_i32 = arith.constant 0 : i32
    %c0_i32_0 = arith.constant 0 : i32
    %c0_i32_1 = arith.constant 0 : i32
    return %c0_i32, %arg0, %c0_i32_0 : i32, i32, i32
  }
  func.func @transform_2(%arg0: i32) -> (i32, i32) {
    %c0_i32 = arith.constant 0 : i32
    %c0_i32_0 = arith.constant 0 : i32
    return %arg0, %c0_i32 : i32, i32
  }
  func.func @transform_3(%arg0: i32) -> (i32, i32) {
    %c0_i32 = arith.constant 0 : i32
    %c0_i32_0 = arith.constant 0 : i32
    %c0_i32_1 = arith.constant 0 : i32
    return %c0_i32, %c0_i32_0 : i32, i32
  }
  func.func @transform_4(%arg0: i32) -> (i32, i32) {
    %c0_i32 = arith.constant 0 : i32
    %c0_i32_0 = arith.constant 0 : i32
    return %arg0, %c0_i32 : i32, i32
  }
}

</mosaic_0001>

<sc_bundles>
// kernel: kernel.5.cloned.1.call-start
scs
__scs_entry_jumppad:
0x0: {  	(pc) =	sbr.rel $0x88, $3  }
0x1: {  	(tag) =	ssettag $0x0;
	lr =	simm.s32 $0x1  }
0x2: {  	[smem:$0x3F9C] =	sst lr;
	_ =	strace $0xD0000000  }
0x3: {  	_ = 	snop  }
0x4: {  	_ = 	snop  }
0x5: {  	_ = 	snop  }
0x6: {  	_ = 	snop  }
0x7: {  	_ = 	snop  }
__scs_overlays_trampoline_lowered:
0x8: {  	[smem:$0x3FAB] =	sst s0  }
0x9: {  	[smem:$0x3FAC] =	sst s1  }
0xa: {  	[smem:$0x3FAD] =	sst s2  }
0xb: {  	[smem:$0x3FAE] =	sst s3  }
0xc: {  	[smem:$0x3FAF] =	sst s4  }
0xd: {  	[smem:$0x3FB0] =	sst s5  }
0xe: {  	[smem:$0x3FB1] =	sst s6  }
0xf: {  	[smem:$0x3FB2] =	sst s7  }
0x10: {  	[smem:$0x3FB3] =	sst s8  }
0x11: {  	[smem:$0x3FB4] =	sst s9;
	s0 =	simm.s32 @!p0 $0x0  }
0x12: {  	s1 =	sld [smem:$0x3F9A];
	s0 =	simm.s32 @p0 $0x1  }
0x13: {  	[smem:$0x3FB5] =	sst s0;
	s0 =	simm.s32 @!p1 $0x0  }
0x14: {  	s2 =	sld [smem:$0x3F99];
	s0 =	simm.s32 @p1 $0x1  }
0x15: {  	[smem:$0x3FB6] =	sst s0;
	s0 =	simm.s32 @!p2 $0x0  }
0x16: {  	s3 =	sld [smem:$0x3FDB];
	s0 =	simm.s32 @p2 $0x1  }
0x17: {  	s4 =	simm.s32 $0x1BF5;
	[smem:$0x3FB8] =	sst s0  }
0x18: {  	s0 =	sld [smem:$0x3F9B];
	_ =	swait.ge [sflag:s4], $0x0  }
0x19: {  	s7 =	sld [smem:$0x3F9C]  }
0x1a: {  	s8 =	sadd.s32 $0xFFFFE003, lr  }
0x1b: {  	s9 =	sadd.s32 $0xFFFFFEF7, lr;
	s5 =	simm.s32 $0xFFFFFFFF;
	p2 =	slt.u32 s8, $0xFFFFF086  }
0x1c: {  	p1 =	slt.u32 s9, $0xF7A;
	s5 =	simm.s32 @!p2 $0x0  }
0x1d: {  	s5 =	simm.s32 @p1 $0x1;
	p0 =	seq.s32 s7, s2  }
0x1e: {  	s7 =	smul.u32 @!p0 $0xF7A, s2;
	p2 =	seq.s32 @!p0 s5, $0x0  }
0x1f: {  	s9 =	smul.u32 $0xF7A, s1;
	s8 =	simm.s32 @!p0 $0x1BF5;
	p2 =	por !p2, p0  }
0x20: {  	[sflag:s8] =	ssyncset.s32 @!p0 $0xFFFFF086;
	s6 =	sadd.s32 @!p0 s3, s7;
	s7 =	simm.s32 @!p0 $0x108  }
0x21: {  	s3 =	sadd.s32 s3, s9;
	s6 =	sadd.s32 @!p0 $0x88, s6;
	s7 =	simm.s32 @p2 $0x1082  }
0x22: {  	[simem:s7], [sflag:s8] =	dma.local @!p0 [hbm:s6], $0xF7A  }
0x23: {  	s9 =	sor.u32 $0xD0000000, s2;
	s6 =	simm.s32 $0x108;
	_ =	swait.ge @!p0 [sflag:s8], $0x0  }
0x24: {  	s3 =	sadd.s32 $0x88, s3;
	s6 =	simm.s32 @!p1 $0x1082;
	[sflag:s4] =	ssyncset.s32 $0xFFFFF086  }
0x25: {  	[simem:s6], [sflag:s4] =	dma.local [hbm:s3], $0xF7A  }
0x26: {  	[smem:$0x3F9C] =	sst s1;
	(tag) =	ssettag s2;
	_ =	strace s9  }
0x27: {  	s1 =	sld [smem:$0x3FAC]  }
0x28: {  	s2 =	sld [smem:$0x3FAD]  }
0x29: {  	s4 =	sld [smem:$0x3FAF]  }
0x2a: {  	p0 =	seq.s32 s5, $0x0;
	s5 =	sld [smem:$0x3FB0]  }
0x2b: {  	s6 =	sld [smem:$0x3FB1]  }
0x2c: {  	s7 =	sld [smem:$0x3FB2]  }
0x2d: {  	s3 =	simm.s32 $0x108;
	s8 =	sld [smem:$0x3FB3]  }
0x2e: {  	s3 =	simm.s32 @!p0 $0x1082;
	s9 =	sld [smem:$0x3FB4]  }
0x2f: {  	lr =	sadd.s32 s0, s3;
	s0 =	sld [smem:$0x3FAB]  }
0x30: {  	s3 =	sld [smem:$0x3FAE]  }
0x31: {  	[smem:$0x3FB7] =	sst s10  }
0x32: {  	s10 =	sld [smem:$0x3FB5];
	_ =	sdelay $0x3  }
0x33: {  	p0 =	seq.s32 s10, $0x1;
	s10 =	sld [smem:$0x3FB7];
	_ =	sdelay $0x3  }
0x34: {  	[smem:$0x3FB7] =	sst s10  }
0x35: {  	s10 =	sld [smem:$0x3FB6];
	_ =	sdelay $0x3  }
0x36: {  	p1 =	seq.s32 s10, $0x1;
	s10 =	sld [smem:$0x3FB7];
	_ =	sdelay $0x3  }
0x37: {  	[smem:$0x3FB7] =	sst s10  }
0x38: {  	s10 =	sld [smem:$0x3FB8]  }
0x39: {  	_ = 	snop;
	(pc) =	sbr.ind lr, $3  }
0x3a: {  	_ = 	snop  }
0x3b: {  	_ = 	snop  }
0x3c: {  	p2 =	seq.s32 s10, $0x1;
	s10 =	sld [smem:$0x3FB7]  }
0x3d: {  	_ =	shalt  }
0x3e: {  	_ =	shalt  }
0x3f: {  	_ =	shalt  }
0x40: {  	_ =	shalt  }
0x41: {  	_ =	shalt  }
0x42: {  	_ =	shalt  }
0x43: {  	_ =	shalt  }
0x44: {  	_ =	shalt  }
0x45: {  	_ =	shalt  }
0x46: {  	_ =	shalt  }
0x47: {  	_ =	shalt  }
0x48: {  	_ =	shalt  }
0x49: {  	_ =	shalt  }
0x4a: {  	_ =	shalt  }
0x4b: {  	_ =	shalt  }
0x4c: {  	_ =	shalt  }
0x4d: {  	_ =	shalt  }
0x4e: {  	_ =	shalt  }
0x4f: {  	_ =	shalt  }
0x50: {  	_ =	shalt  }
0x51: {  	_ =	shalt  }
0x52: {  	_ =	shalt  }
0x53: {  	_ =	shalt  }
0x54: {  	_ =	shalt  }
0x55: {  	_ =	shalt  }
0x56: {  	_ =	shalt  }
0x57: {  	_ =	shalt  }
0x58: {  	_ =	shalt  }
0x59: {  	_ =	shalt  }
0x5a: {  	_ =	shalt  }
0x5b: {  	_ =	shalt  }
0x5c: {  	_ =	shalt  }
0x5d: {  	_ =	shalt  }
0x5e: {  	_ =	shalt  }
0x5f: {  	_ =	shalt  }
0x60: {  	_ =	shalt  }
0x61: {  	_ =	shalt  }
0x62: {  	_ =	shalt  }
0x63: {  	_ =	shalt  }
0x64: {  	_ =	shalt  }
0x65: {  	_ =	shalt  }
0x66: {  	_ =	shalt  }
0x67: {  	_ =	shalt  }
0x68: {  	_ =	shalt  }
0x69: {  	_ =	shalt  }
0x6a: {  	_ =	shalt  }
0x6b: {  	_ =	shalt  }
0x6c: {  	_ =	shalt  }
0x6d: {  	_ =	shalt  }
0x6e: {  	_ =	shalt  }
0x6f: {  	_ =	shalt  }
0x70: {  	_ =	shalt  }
0x71: {  	_ =	shalt  }
0x72: {  	_ =	shalt  }
0x73: {  	_ =	shalt  }
0x74: {  	_ =	shalt  }
0x75: {  	_ =	shalt  }
0x76: {  	_ =	shalt  }
0x77: {  	_ =	shalt  }
0x78: {  	_ =	shalt  }
0x79: {  	_ =	shalt  }
0x7a: {  	_ =	shalt  }
0x7b: {  	_ =	shalt  }
0x7c: {  	_ =	shalt  }
0x7d: {  	_ =	shalt  }
0x7e: {  	_ =	shalt  }
0x7f: {  	_ =	shalt  }
0x80: {  	_ =	shalt  }
0x81: {  	_ =	shalt  }
0x82: {  	_ =	shalt  }
0x83: {  	_ =	shalt  }
0x84: {  	_ =	shalt  }
0x85: {  	_ =	shalt  }
0x86: {  	_ =	shalt  }
0x87: {  	_ =	shalt  }
.Lfunc_end0:
.L_simem_size_0:
called_computation_lowered:
.L_overlay_start_0:
0x88: {  	s2 =	sld [smem:$0x3FD9]  }
0x89: {  	s3 =	sld [smem:$0x3FFE];
	_ =	sdelay $0x1  }
0x8a: {  	s1 =	srdreg.scid  }
0x8b: {  	s0 =	sand.u32 $0x1, s1  }
0x8c: {  	s17 =	sshll.u32 s0, $0xA;
	s2 =	sadd.s32 s3, s2  }
0x8d: {  	s2 =	sadd.s32 s2, s17  }
0x8e: {  	[smem:$0x3FC3] =	sst s2  }
0x8f: {  	_ = 	snop  }
0x90: {  	s2 =	sld [smem:$0x3FD0];
	(tm) =	ssettm $0x1  }
0x91: {  	s18 =	sld [smem:$0x3FFB];
	_ =	sdelay $0x3  }
0x92: {  	_ =	strace s18  }
0x93: {  	s3 =	sld [smem:$0x3FFC];
	_ =	sdelay $0x3  }
0x94: {  	_ =	strace s3  }
0x95: {  	s3 =	sld [smem:$0x3FFD];
	_ =	sdelay $0x3  }
0x96: {  	_ =	strace s3  }
0x97: {  	_ =	strace $0x8FFFFFFF  }
0x98: {  	s19 =	sld [smem:$0x3FDB];
	_ =	sdelay $0x1  }
0x99: {  	s4 =	simm.s32 $_scs_section_size  }
0x9a: {  	s5 =	simm.s32 $_size__tile_overlayer_lowered;
	s6 =	simm.s32 $_tile_overlayer_lowered  }
0x9b: {  	s22 =	simm.s32 $0x1BFF;
	s21 =	sshll.u32 s6, $0x1;
	s3 =	sadd.s32 s4, s19  }
0x9c: {  	s7 =	simm.s32 $0x0;
	s20 =	sshll.u32 s5, $0x1;
	s5 =	sadd.s32 s21, s3  }
0x9d: {  	[timem:s7], [sflag:s22] =	dma.local [hbm:s5], s20  }
0x9e: {  	_ =	swait.ge [sflag:s22], s20  }
0x9f: {  	s4 =	ssub.s32 $0x0, s20;
	[sflag:s22] =	ssyncset.done $0x0  }
0xa0: {  	[sflag:s22] =	ssyncadd.s32 s4;
	_ =	sdelay $0x1  }
0xa1: {  	s23 =	simm.s32 $0x1B8B  }
0xa2: {  	_ =	swait.ge [sflag:s23], $0x1  }
0xa3: {  	[sflag:s23] =	ssyncset.done $0x0  }
0xa4: {  	s25 =	simm.s32 $0x1B8E;
	s24 =	sld [smem:$0x3FFE];
	[sflag:s23] =	ssyncadd.s32 $0xFFFFFFFF  }
0xa5: {  	s26 =	simm.s32 $execute0_lowered;
	[smem:$0x3FD2] =	sst s25  }
0xa6: {  	s5 =	sshll.u32 s26, $0x1;
	_ =	strace $0x80000046;
	[dreg:$0x1] =	wrdreg $0xFFFFFFFF  }
0xa7: {  	s28 =	simm.s32 $_size_execute0_lowered;
	s3 =	sadd.s32 s3, s5;
	[dreg:$0x0] =	wrdreg $0x0  }
0xa8: {  	s5 =	sshll.u32 s28, $0x1;
	[dreg:$0x2] =	wrdreg s3  }
0xa9: {  	[dreg:$0x3] =	wrdreg s5  }
0xaa: {  	[dreg:$0x4] =	wrdreg $0xC0  }
0xab: {  	_ =	task [dreg:s7], $0x5FFFF  }
0xac: {  	[dreg:$0x1] =	wrdreg $0xFFFFFFFF  }
0xad: {  	[dreg:$0x0] =	wrdreg $0x60  }
0xae: {  	[dreg:$0x2] =	wrdreg s24  }
0xaf: {  	[dreg:$0x3] =	wrdreg s2  }
0xb0: {  	[dreg:$0x4] =	wrdreg $0xE6800  }
0xb1: {  	[dreg:$0x5] =	wrdreg $0x136800  }
0xb2: {  	[dreg:$0x6] =	wrdreg $0x186800  }
0xb3: {  	[dreg:$0x7] =	wrdreg $0x9  }
0xb4: {  	_ =	task.clear_ibuf [dreg:s7], $0x8FFFF;
	_ =	strace $0x90000046  }
0xb5: {  	s29 =	simm.s32 $0x9;
	_ =	strace $0x80000048  }
0xb6: {  	_ =	swait.ge [sflag:s29], $0x1  }
0xb7: {  	[sflag:s29] =	ssyncadd.s32 $0xFFFFFFFF  }
0xb8: {  	_ =	strace $0x90000048  }
0xb9: {  	_ =	sfence  }
0xba: {  	s30 =	sld [smem:$0x0];
	_ =	sdelay $0x2  }
0xbb: {  	s31 =	sshll.u32 s1, $0xD;
	s1 =	sshrl.u32 s1, $0x2  }
0xbc: {  	s3 =	sand.u32 $0x4000, s31;
	s1 =	sadd.s32 s1, s30  }
0xbd: {  	s0 =	sor.u32 s3, s0;
	s1 =	sshll.u32 s1, $0x11  }
0xbe: {  	s0 =	sor.u32 s1, s0  }
0xbf: {  	s0 =	sadd.s32 $0x8F2B, s0  }
0xc0: {  	[sflag:s0] =	ssyncadd.remote.s32 $0x1  }
0xc1: {  	_ =	sfence.sel $0xFFFF  }
0xc2: {  	[dreg:$0x0] =	wrdreg $0xFFFFFFFF;
	(pc) =	sbr.abs _section_cstart, $3  }
0xc3: {  	[dreg:$0x1] =	wrdreg $0xFFFFFFFF  }
0xc4: {  	_ =	task.clear_ibuf [dreg:s7], $0x2FFFF;
	_ =	strace $0x9FFFFFFF  }
0xc5: {  	(tm) =	ssettm $0x7FFFFFFF  }
tec
execute0_lowered:
.L_overlay_start_1:
0x0: {  	(tag) =	ssettag $0x1  }
0x1: {  	s0 =	rddreg [dreg:$0x0]  }
0x2: {  	s5 =	rddreg [dreg:$0x1]  }
0x3: {  	s1 =	rddreg [dreg:$0x2]  }
0x4: {  	s2 =	rddreg [dreg:$0x3]  }
0x5: {  	s3 =	rddreg [dreg:$0x4]  }
0x6: {  	s4 =	srdreg.scid;
	s7 =	stileid.u32;
	s29 =	simm.s32 $0x80  }
0x7: {  	s30 =	simm.s32 $0x9E00;
	s31 =	simm.s32 $0xAE00;
	s10 =	smul.u32 $0x13880, s7  }
0x8: {  	s28 =	simm.s32 $0x2;
	s9 =	sand.u32 $0x1, s4;
	s8 =	smul.u32 $0x9E0, s7  }
0x9: {  	s4 =	simm.s32 $0x0;
	s18 =	smul.u32 $0x280, s7;
	s22 =	sadd.s32 $0x1200, s0  }
0xa: {  	s14 =	smul.u32 $0xA000, s7;
	s24 =	sadd.s32 $0x29200, s0;
	s16 =	sshll.u32 s7, $0x6  }
0xb: {  	p0 =	sne.s32 s7, $0x0;
	s7 =	simm.s32 $0x0;
	s6 =	sshll.u32 s9, $0x6  }
0xc: {  	[smem:$0x7FF] =	sst s4;
	s11 =	smul.u32 $0x2800, s9;
	s25 =	ssub.s32 $0x2, s9  }
0xd: {  	s21 =	smul.u32 $0xA0000, s9;
	p1 =	sne.s32 s9, $0x0;
	p2 =	seq.s32 s9, $0x0  }
0xe: {  	s6 =	sor.u32 s6, s10;
	_ =	strace $0x80000047;
	[dreg:$0x6] =	wrdreg s22  }
0xf: {  	s13 =	sadd.s32 s8, s0;
	[dreg:$0x7] =	wrdreg s24;
	s26 =	sshrl.u32 s25, $0x1  }
0x10: {  	s15 =	sshrl.u32 s14, $0x1;
	s10 =	sshrl.u32 s10, $0x2;
	s6 =	sshrl.u32 s6, $0x4  }
0x11: {  	s23 =	sadd.s32 s18, s11;
	s19 =	ssub.s32 s25, s26;
	s20 =	sadd.s32 s15, s1  }
0x12: {  	s22 =	sadd.s32 $0x1F400, s13;
	s10 =	sadd.s32 s10, s2;
	s25 =	sadd.s32 $0x29210, s0  }
0x13: {  	s15 =	sadd.s32 s14, s21;
	s14 =	sadd.s32 $0x29230, s0;
	s26 =	sadd.s32 s18, s3  }
0x14: {  	s21 =	simm.s32 $0xBE00;
	s12 =	sadd.s32 s6, s0;
	s6 =	sadd.s32 $0x29400, s0  }
0x15: {  	s8 =	sshrl.u32 s23, $0x3;
	[dreg:$0x8] =	wrdreg s22;
	s23 =	sadd.s32 $0x15600, s13  }
0x16: {  	[dreg:$0xb] =	wrdreg s25;
	s13 =	sadd.s32 $0x29220, s0;
	s18 =	smax.u32 s19, $0x1  }
0x17: {  	s19 =	sshrl.u32 s20, $0x3;
	s20 =	simm.s32 $0x5;
	s22 =	simm.s32 $0x4F00  }
0x18: {  	s25 =	sshrl.u32 s26, $0x3;
	s26 =	simm.s32 $0x4;
	s17 =	sadd.s32 s8, s0  }
0x19: {  	s8 =	sor.u32 $0x1C05, s16;
	[dreg:$0x9] =	wrdreg s23;
	s24 =	sadd.s32 $0x1C00, s12  }
0x1a: {  	s16 =	sshrl.u32 s15, $0x4;
	s15 =	sadd.s32 $0x29240, s0;
	s23 =	sshrl.u32 s10, $0x3  }
0x1b: {  	s0 =	simm.s32 $0x3;
	[dreg:$0xa] =	wrdreg s24;
	s16 =	sadd.s32 s5, s16  }
0x1c: {  	s17 =	sadd.s32 $0x29A00, s17;
	s24 =	simm.s32 $0x1;
	s5 =	simm.s32 $0xE600  }
.LBB2_1:
0x1d: {  	s9 =	rddreg [dreg:$0x6]  }
0x1e: {  	[spmem:s19], [sflag:s8] =	dma.local [hbm:s9], $0xA00  }
0x1f: {  	_ =	swait.ge [sflag:s20], $0xA00  }
0x20: {  	[sflag:s20] =	ssyncset.done $0x0  }
0x21: {  	[sflag:s20] =	ssyncadd.s32 $0xFFFFF600  }
0x22: {  	[tilespmem:s21], [sflag:$0x5] =	stream.linear.gather [hbm4b:s6+s4], $0x2800, $0x38;
	[tilespmem:$0x18900] =	vst v63  }
0x23: {  	_ =	swait.ge [sflag:s20], $0x2800  }
0x24: {  	[sflag:s20] =	ssyncset.done $0x0  }
0x25: {  	s10 =	rddreg [dreg:$0x8];
	[sflag:s20] =	ssyncadd.s32 $0xFFFFD800  }
0x26: {  	[tilespmem:s4], [sflag:$0x5] =	stream.linear.gather [hbm4b:s10+s4], $0x4F00, $0x38;
	[tilespmem:$0x18900] =	vst v63  }
0x27: {  	_ =	swait.ge [sflag:s20], $0x4F00  }
0x28: {  	[sflag:s20] =	ssyncset.done $0x0  }
0x29: {  	s11 =	rddreg [dreg:$0x9];
	[sflag:s20] =	ssyncadd.s32 $0xFFFFB100  }
0x2a: {  	[tilespmem:s22], [sflag:$0x5] =	stream.linear.gather [hbm4b:s11+s4], $0x4F00, $0x38;
	[tilespmem:$0x18900] =	vst v63  }
0x2b: {  	_ =	swait.ge [sflag:s20], $0x4F00  }
0x2c: {  	[sflag:s20] =	ssyncset.done $0x0  }
0x2d: {  	s10 =	simm.s32 $0x8;
	s12 =	rddreg [dreg:$0xa];
	[sflag:s20] =	ssyncadd.s32 $0xFFFFB100  }
0x2e: {  	[spmem:s23@s26], [sflag:s8] =	dma.strided [hbm:s12@s10], $0x9C4, s24, $0x4   }
0x2f: {  	_ =	swait.ge [sflag:s20], $0x9C4  }
0x30: {  	[sflag:s20] =	ssyncset.done $0x0  }
0x31: {  	s9 =	sshrl.u32 @!p0 s3, $0x3;
	[sflag:s20] =	ssyncadd.s32 $0xFFFFF63C  }
0x32: {  	[spmem:s9], [sflag:s8] =	dma.local @!p0 [hbm:s6], $0x500  }
0x33: {  	s9 =	simm.s32 @!p0 $0x5  }
0x34: {  	_ =	swait.ge @!p0 [sflag:s9], $0x500  }
0x35: {  	[sflag:s9] =	ssyncset.done @!p0 $0x0  }
0x36: {  	[sflag:s9] =	ssyncadd.s32 @!p0 $0xFFFFFB00  }
0x37: {  	[bflag:$0x0] =	sbarrier.arrive $0xFFFF  }
0x38: {  	[tilespmem:s30], [sflag:$0x1] =	stream.indirect.gather [spmem:s2], $0x20, s4, s29, $0xb8;
	[tilespmem:$0x18900] =	vst v63  }
0x39: {  	_ = 	snop  }
0x3a: {  	[tilespmem:s31], [sflag:$0x2] =	stream.indirect.gather [spmem:s2], $0x20, s29, s29, $0xb8;
	[tilespmem:$0x18900] =	vst v63  }
0x3b: {  	_ =	swait.ge [sflag:s24], $0x1000  }
0x3c: {  	[sflag:s24] =	ssyncset.done $0x0  }
0x3d: {  	s9 =	simm.s32 @p1 $0x3;
	[sflag:s24] =	ssyncadd.s32 $0xFFFFF000  }
0x3e: {  	[spmem:s1] =	stream.indirect.scatter.add.bf16 [tilespmem:s30], [sflag:$0x3], $0x20, s22, s29, $0xb8;
	[tilespmem:$0x18900] =	vst v63  }
0x3f: {  	_ =	swait.ge @p1 [sflag:s9], $0x1000  }
0x40: {  	s11 =	simm.s32 @p1 $0x9E00;
	[sflag:s9] =	ssyncset.done @p1 $0x0  }
0x41: {  	s10 =	simm.s32 @p1 $0x100;
	[sflag:s9] =	ssyncadd.s32 @p1 $0xFFFFF000;
	s9 =	simm.s32 @p1 $0x80  }
0x42: {  	[tilespmem:s11], [sflag:$0x1] =	stream.indirect.gather @p1 [spmem:s2], $0x20, s10, s9, $0xb8;
	[tilespmem:$0x18900] =	vst v63  }
0x43: {  	s10 =	simm.s32 @p1 $0x2  }
0x44: {  	_ =	swait.ge @p1 [sflag:s10], $0x1000  }
0x45: {  	[sflag:s10] =	ssyncset.done @p1 $0x0  }
0x46: {  	s11 =	simm.s32 @p1 $0xAE00;
	[sflag:s10] =	ssyncadd.s32 @p1 $0xFFFFF000;
	s10 =	simm.s32 @p1 $0x4F80  }
0x47: {  	[spmem:s1] =	stream.indirect.scatter.add.bf16 @p1 [tilespmem:s11], [sflag:$0x4], $0x20, s10, s9, $0xb8;
	[tilespmem:$0x18900] =	vst v63  }
0x48: {  	v0 =	vld @p1 [tilespmem:$0x4F80];
	_ =	sdelay $0x6  }
0x49: {  	v1 =	vimm.f32 @p1 $1.000000000e+00;
	s9 =	simm.s32 @p1 $0xBE00  }
0x4a: {  	[tilespmem:v0+s9+$0x0] =	vst.idx.add.f32.msk @p1 $0xffff, v1  }
0x4b: {  	v0 =	vld @p1 [tilespmem:$0x4F90];
	_ =	sdelay $0x7  }
0x4c: {  	[tilespmem:v0+s9+$0x0] =	vst.idx.add.f32.msk @p1 $0xffff, v1  }
0x4d: {  	v0 =	vld @p1 [tilespmem:$0x4FA0];
	_ =	sdelay $0x7  }
0x4e: {  	[tilespmem:v0+s9+$0x0] =	vst.idx.add.f32.msk @p1 $0xffff, v1  }
0x4f: {  	v0 =	vld @p1 [tilespmem:$0x4FB0];
	_ =	sdelay $0x7  }
0x50: {  	[tilespmem:v0+s9+$0x0] =	vst.idx.add.f32.msk @p1 $0xffff, v1  }
0x51: {  	v0 =	vld @p1 [tilespmem:$0x4FC0];
	_ =	sdelay $0x7  }
0x52: {  	[tilespmem:v0+s9+$0x0] =	vst.idx.add.f32.msk @p1 $0xffff, v1  }
0x53: {  	v0 =	vld @p1 [tilespmem:$0x4FD0];
	_ =	sdelay $0x7  }
0x54: {  	[tilespmem:v0+s9+$0x0] =	vst.idx.add.f32.msk @p1 $0xffff, v1  }
0x55: {  	v0 =	vld @p1 [tilespmem:$0x4FE0];
	_ =	sdelay $0x7  }
0x56: {  	[tilespmem:v0+s9+$0x0] =	vst.idx.add.f32.msk @p1 $0xffff, v1  }
0x57: {  	v0 =	vld @p1 [tilespmem:$0x4FF0];
	_ =	sdelay $0x7  }
0x58: {  	[tilespmem:v0+s9+$0x0] =	vst.idx.add.f32.msk @p1 $0xffff, v1  }
0x59: {  	v1 =	vld @!p1 [tilespmem:$0x4F00];
	_ =	sdelay $0x6  }
0x5a: {  	v0 =	vimm.f32 @!p1 $1.000000000e+00;
	s9 =	simm.s32 @!p1 $0xBE00  }
0x5b: {  	[tilespmem:v1+s9+$0x0] =	vst.idx.add.f32.msk @!p1 $0xffff, v0  }
0x5c: {  	v1 =	vld @!p1 [tilespmem:$0x4F10];
	_ =	sdelay $0x7  }
0x5d: {  	[tilespmem:v1+s9+$0x0] =	vst.idx.add.f32.msk @!p1 $0xffff, v0  }
0x5e: {  	v1 =	vld @!p1 [tilespmem:$0x4F20];
	_ =	sdelay $0x7  }
0x5f: {  	[tilespmem:v1+s9+$0x0] =	vst.idx.add.f32.msk @!p1 $0xffff, v0  }
0x60: {  	v1 =	vld @!p1 [tilespmem:$0x4F30];
	_ =	sdelay $0x7  }
0x61: {  	[tilespmem:v1+s9+$0x0] =	vst.idx.add.f32.msk @!p1 $0xffff, v0  }
0x62: {  	v1 =	vld @!p1 [tilespmem:$0x4F40];
	_ =	sdelay $0x7  }
0x63: {  	[tilespmem:v1+s9+$0x0] =	vst.idx.add.f32.msk @!p1 $0xffff, v0  }
0x64: {  	v1 =	vld @!p1 [tilespmem:$0x4F50];
	_ =	sdelay $0x7  }
0x65: {  	[tilespmem:v1+s9+$0x0] =	vst.idx.add.f32.msk @!p1 $0xffff, v0  }
0x66: {  	v1 =	vld @!p1 [tilespmem:$0x4F60];
	_ =	sdelay $0x7  }
0x67: {  	[tilespmem:v1+s9+$0x0] =	vst.idx.add.f32.msk @!p1 $0xffff, v0  }
0x68: {  	v1 =	vld @!p1 [tilespmem:$0x4F70];
	_ =	sdelay $0x7  }
0x69: {  	s10 =	simm.s32 @!p1 $0x3;
	[tilespmem:v1+s9+$0x0] =	vst.idx.add.f32.msk @!p1 $0xffff, v0  }
0x6a: {  	_ =	swait.ge @!p1 [sflag:s10], $0x1000  }
0x6b: {  	s12 =	simm.s32 @!p1 $0x9E00;
	[sflag:s10] =	ssyncset.done @!p1 $0x0  }
0x6c: {  	s11 =	simm.s32 @!p1 $0x100;
	[sflag:s10] =	ssyncadd.s32 @!p1 $0xFFFFF000;
	s10 =	simm.s32 @!p1 $0x80  }
0x6d: {  	[tilespmem:s12], [sflag:$0x1] =	stream.indirect.gather @!p1 [spmem:s2], $0x20, s11, s10, $0xb8;
	[tilespmem:$0x18900] =	vst v63  }
0x6e: {  	s11 =	simm.s32 @!p1 $0x2  }
0x6f: {  	_ =	swait.ge @!p1 [sflag:s11], $0x1000  }
0x70: {  	[sflag:s11] =	ssyncset.done @!p1 $0x0  }
0x71: {  	s12 =	simm.s32 @!p1 $0xAE00;
	[sflag:s11] =	ssyncadd.s32 @!p1 $0xFFFFF000;
	s11 =	simm.s32 @!p1 $0x4F80  }
0x72: {  	[spmem:s1] =	stream.indirect.scatter.add.bf16 @!p1 [tilespmem:s12], [sflag:$0x4], $0x20, s11, s10, $0xb8;
	[tilespmem:$0x18900] =	vst v63  }
0x73: {  	s10 =	simm.s32 $0xFFFECC00  }
.LBB2_2:
0x74: {  	_ =	swait.ge [sflag:s26], $0x1000  }
0x75: {  	s11 =	sshra.s32 s10, $0x2;
	[sflag:s26] =	ssyncset.done $0x0  }
0x76: {  	s12 =	sadd.s32 $0x4E80, s11;
	[sflag:s26] =	ssyncadd.s32 $0xFFFFF000  }
0x77: {  	[tilespmem:s31], [sflag:$0x2] =	stream.indirect.gather [spmem:s2], $0x20, s12, s29, $0xb8;
	[tilespmem:$0x18900] =	vst v63  }
0x78: {  	_ =	swait.ge [sflag:s24], $0x1000  }
0x79: {  	[sflag:s24] =	ssyncset.done $0x0  }
0x7a: {  	s12 =	sadd.s32 $0x9D00, s11;
	[sflag:s24] =	ssyncadd.s32 $0xFFFFF000  }
0x7b: {  	[spmem:s1] =	stream.indirect.scatter.add.bf16 [tilespmem:s30], [sflag:$0x3], $0x20, s12, s29, $0xb8;
	[tilespmem:$0x18900] =	vst v63  }
0x7c: {  	v1 =	vld @!p1 [tilespmem:s11+$0x9D00];
	_ =	sdelay $0x7  }
0x7d: {  	s12 =	sshra.s32 @!p1 s10, $0x2;
	[tilespmem:v1+s9+$0x0] =	vst.idx.add.f32.msk @!p1 $0xffff, v0  }
0x7e: {  	v1 =	vld @!p1 [tilespmem:s12+$0x9D10];
	_ =	sdelay $0x7  }
0x7f: {  	[tilespmem:v1+s9+$0x0] =	vst.idx.add.f32.msk @!p1 $0xffff, v0  }
0x80: {  	v1 =	vld @!p1 [tilespmem:s12+$0x9D20];
	_ =	sdelay $0x7  }
0x81: {  	[tilespmem:v1+s9+$0x0] =	vst.idx.add.f32.msk @!p1 $0xffff, v0  }
0x82: {  	v1 =	vld @!p1 [tilespmem:s12+$0x9D30];
	_ =	sdelay $0x7  }
0x83: {  	[tilespmem:v1+s9+$0x0] =	vst.idx.add.f32.msk @!p1 $0xffff, v0  }
0x84: {  	v1 =	vld @!p1 [tilespmem:s12+$0x9D40];
	_ =	sdelay $0x7  }
0x85: {  	[tilespmem:v1+s9+$0x0] =	vst.idx.add.f32.msk @!p1 $0xffff, v0  }
0x86: {  	v1 =	vld @!p1 [tilespmem:s12+$0x9D50];
	_ =	sdelay $0x7  }
0x87: {  	[tilespmem:v1+s9+$0x0] =	vst.idx.add.f32.msk @!p1 $0xffff, v0  }
0x88: {  	v1 =	vld @!p1 [tilespmem:s12+$0x9D60];
	_ =	sdelay $0x7  }
0x89: {  	[tilespmem:v1+s9+$0x0] =	vst.idx.add.f32.msk @!p1 $0xffff, v0  }
0x8a: {  	v1 =	vld @!p1 [tilespmem:s12+$0x9D70];
	_ =	sdelay $0x7  }
0x8b: {  	[tilespmem:v1+s9+$0x0] =	vst.idx.add.f32.msk @!p1 $0xffff, v0  }
0x8c: {  	_ =	swait.ge [sflag:s0], $0x1000  }
0x8d: {  	[sflag:s0] =	ssyncset.done $0x0  }
0x8e: {  	s12 =	sadd.s32 $0x4F00, s11;
	[sflag:s0] =	ssyncadd.s32 $0xFFFFF000  }
0x8f: {  	[tilespmem:s30], [sflag:$0x1] =	stream.indirect.gather [spmem:s2], $0x20, s12, s29, $0xb8;
	[tilespmem:$0x18900] =	vst v63  }
0x90: {  	_ =	swait.ge [sflag:s28], $0x1000  }
0x91: {  	[sflag:s28] =	ssyncset.done $0x0  }
0x92: {  	s12 =	sadd.s32 $0x9D80, s11;
	[sflag:s28] =	ssyncadd.s32 $0xFFFFF000  }
0x93: {  	[spmem:s1] =	stream.indirect.scatter.add.bf16 [tilespmem:s31], [sflag:$0x4], $0x20, s12, s29, $0xb8;
	[tilespmem:$0x18900] =	vst v63  }
0x94: {  	v1 =	vld @!p2 [tilespmem:s11+$0x9D80];
	_ =	sdelay $0x6  }
0x95: {  	v2 =	vimm.f32 @!p2 $1.000000000e+00;
	s11 =	simm.s32 @!p2 $0xBE00  }
0x96: {  	s12 =	sshra.s32 @!p2 s10, $0x2;
	[tilespmem:v1+s11+$0x0] =	vst.idx.add.f32.msk @!p2 $0xffff, v2  }
0x97: {  	v1 =	vld @!p2 [tilespmem:s12+$0x9D90];
	_ =	sdelay $0x7  }
0x98: {  	[tilespmem:v1+s11+$0x0] =	vst.idx.add.f32.msk @!p2 $0xffff, v2  }
0x99: {  	v1 =	vld @!p2 [tilespmem:s12+$0x9DA0];
	_ =	sdelay $0x7  }
0x9a: {  	[tilespmem:v1+s11+$0x0] =	vst.idx.add.f32.msk @!p2 $0xffff, v2  }
0x9b: {  	v1 =	vld @!p2 [tilespmem:s12+$0x9DB0];
	_ =	sdelay $0x7  }
0x9c: {  	[tilespmem:v1+s11+$0x0] =	vst.idx.add.f32.msk @!p2 $0xffff, v2  }
0x9d: {  	v1 =	vld @!p2 [tilespmem:s12+$0x9DC0];
	_ =	sdelay $0x7  }
0x9e: {  	[tilespmem:v1+s11+$0x0] =	vst.idx.add.f32.msk @!p2 $0xffff, v2  }
0x9f: {  	v1 =	vld @!p2 [tilespmem:s12+$0x9DD0];
	_ =	sdelay $0x7  }
0xa0: {  	[tilespmem:v1+s11+$0x0] =	vst.idx.add.f32.msk @!p2 $0xffff, v2  }
0xa1: {  	v1 =	vld @!p2 [tilespmem:s12+$0x9DE0];
	_ =	sdelay $0x7  }
0xa2: {  	[tilespmem:v1+s11+$0x0] =	vst.idx.add.f32.msk @!p2 $0xffff, v2  }
0xa3: {  	v1 =	vld @!p2 [tilespmem:s12+$0x9DF0];
	_ =	sdelay $0x1  }
0xa4: {  	s10 =	sadd.s32 $0x400, s10  }
0xa5: {  	p3 =	sne.s32 s10, $0x0  }
.Ltmp0:
0xa6: {  	_ = 	snop;
	(pc) =	sbr.rel @p3 .LBB2_2-.Ltmp0, $2  }
0xa7: {  	_ =	sdelay $0x2  }
0xa8: {  	[tilespmem:v1+s11+$0x0] =	vst.idx.add.f32.msk @!p2 $0xffff, v2  }
0xa9: {  	_ =	swait.ge [sflag:s26], $0x1000  }
0xaa: {  	[sflag:s26] =	ssyncset.done $0x0  }
0xab: {  	s9 =	simm.s32 $0x4E80;
	[sflag:s26] =	ssyncadd.s32 $0xFFFFF000  }
0xac: {  	[tilespmem:s31], [sflag:$0x2] =	stream.indirect.gather [spmem:s2], $0x20, s9, s29, $0xb8;
	[tilespmem:$0x18900] =	vst v63  }
0xad: {  	_ =	swait.ge [sflag:s24], $0x1000  }
0xae: {  	[sflag:s24] =	ssyncset.done $0x0  }
0xaf: {  	s12 =	simm.s32 $0x9D00;
	s9 =	simm.s32 @p1 $0x3;
	[sflag:s24] =	ssyncadd.s32 $0xFFFFF000  }
0xb0: {  	[spmem:s1] =	stream.indirect.scatter.add.bf16 [tilespmem:s30], [sflag:$0x3], $0x20, s12, s29, $0xb8;
	[tilespmem:$0x18900] =	vst v63  }
0xb1: {  	_ =	swait.ge @p1 [sflag:s9], $0x1000  }
0xb2: {  	[sflag:s9] =	ssyncset.done @p1 $0x0  }
0xb3: {  	[sflag:s9] =	ssyncadd.s32 @p1 $0xFFFFF000;
	s9 =	simm.s32 @p1 $0x2  }
0xb4: {  	_ =	swait.ge @p1 [sflag:s9], $0x1000  }
0xb5: {  	s10 =	simm.s32 @p1 $0x9D80;
	[sflag:s9] =	ssyncset.done @p1 $0x0  }
0xb6: {  	s11 =	simm.s32 @p1 $0xAE00;
	[sflag:s9] =	ssyncadd.s32 @p1 $0xFFFFF000;
	s9 =	simm.s32 @p1 $0x80  }
0xb7: {  	[spmem:s1] =	stream.indirect.scatter.add.bf16 @p1 [tilespmem:s11], [sflag:$0x4], $0x20, s10, s9, $0xb8;
	[tilespmem:$0x18900] =	vst v63  }
0xb8: {  	v0 =	vld @p1 [tilespmem:$0x9D80];
	_ =	sdelay $0x6  }
0xb9: {  	v1 =	vimm.f32 @p1 $1.000000000e+00;
	s9 =	simm.s32 @p1 $0xBE00  }
0xba: {  	[tilespmem:v0+s9+$0x0] =	vst.idx.add.f32.msk @p1 $0xffff, v1  }
0xbb: {  	v0 =	vld @p1 [tilespmem:$0x9D90];
	_ =	sdelay $0x7  }
0xbc: {  	[tilespmem:v0+s9+$0x0] =	vst.idx.add.f32.msk @p1 $0xffff, v1  }
0xbd: {  	v0 =	vld @p1 [tilespmem:$0x9DA0];
	_ =	sdelay $0x7  }
0xbe: {  	[tilespmem:v0+s9+$0x0] =	vst.idx.add.f32.msk @p1 $0xffff, v1  }
0xbf: {  	v0 =	vld @p1 [tilespmem:$0x9DB0];
	_ =	sdelay $0x7  }
0xc0: {  	[tilespmem:v0+s9+$0x0] =	vst.idx.add.f32.msk @p1 $0xffff, v1  }
0xc1: {  	v0 =	vld @p1 [tilespmem:$0x9DC0];
	_ =	sdelay $0x7  }
0xc2: {  	[tilespmem:v0+s9+$0x0] =	vst.idx.add.f32.msk @p1 $0xffff, v1  }
0xc3: {  	v0 =	vld @p1 [tilespmem:$0x9DD0];
	_ =	sdelay $0x7  }
0xc4: {  	[tilespmem:v0+s9+$0x0] =	vst.idx.add.f32.msk @p1 $0xffff, v1  }
0xc5: {  	v0 =	vld @p1 [tilespmem:$0x9DE0];
	_ =	sdelay $0x7  }
0xc6: {  	[tilespmem:v0+s9+$0x0] =	vst.idx.add.f32.msk @p1 $0xffff, v1  }
0xc7: {  	v0 =	vld @p1 [tilespmem:$0x9DF0];
	_ =	sdelay $0x7  }
0xc8: {  	[tilespmem:v0+s9+$0x0] =	vst.idx.add.f32.msk @p1 $0xffff, v1  }
0xc9: {  	v0 =	vld @!p1 [tilespmem:$0x9D00];
	_ =	sdelay $0x6  }
0xca: {  	v1 =	vimm.f32 @!p1 $1.000000000e+00;
	s9 =	simm.s32 @!p1 $0xBE00  }
0xcb: {  	[tilespmem:v0+s9+$0x0] =	vst.idx.add.f32.msk @!p1 $0xffff, v1  }
0xcc: {  	v0 =	vld @!p1 [tilespmem:$0x9D10];
	_ =	sdelay $0x7  }
0xcd: {  	[tilespmem:v0+s9+$0x0] =	vst.idx.add.f32.msk @!p1 $0xffff, v1  }
0xce: {  	v0 =	vld @!p1 [tilespmem:$0x9D20];
	_ =	sdelay $0x7  }
0xcf: {  	[tilespmem:v0+s9+$0x0] =	vst.idx.add.f32.msk @!p1 $0xffff, v1  }
0xd0: {  	v0 =	vld @!p1 [tilespmem:$0x9D30];
	_ =	sdelay $0x7  }
0xd1: {  	[tilespmem:v0+s9+$0x0] =	vst.idx.add.f32.msk @!p1 $0xffff, v1  }
0xd2: {  	v0 =	vld @!p1 [tilespmem:$0x9D40];
	_ =	sdelay $0x7  }
0xd3: {  	[tilespmem:v0+s9+$0x0] =	vst.idx.add.f32.msk @!p1 $0xffff, v1  }
0xd4: {  	v0 =	vld @!p1 [tilespmem:$0x9D50];
	_ =	sdelay $0x7  }
0xd5: {  	[tilespmem:v0+s9+$0x0] =	vst.idx.add.f32.msk @!p1 $0xffff, v1  }
0xd6: {  	v0 =	vld @!p1 [tilespmem:$0x9D60];
	_ =	sdelay $0x7  }
0xd7: {  	[tilespmem:v0+s9+$0x0] =	vst.idx.add.f32.msk @!p1 $0xffff, v1  }
0xd8: {  	v0 =	vld @!p1 [tilespmem:$0x9D70];
	_ =	sdelay $0x7  }
0xd9: {  	[tilespmem:v0+s9+$0x0] =	vst.idx.add.f32.msk @!p1 $0xffff, v1;
	s9 =	simm.s32 @!p1 $0x3  }
0xda: {  	_ =	swait.ge @!p1 [sflag:s9], $0x1000  }
0xdb: {  	[sflag:s9] =	ssyncset.done @!p1 $0x0  }
0xdc: {  	[sflag:s9] =	ssyncadd.s32 @!p1 $0xFFFFF000;
	s9 =	simm.s32 @!p1 $0x2  }
0xdd: {  	_ =	swait.ge @!p1 [sflag:s9], $0x1000  }
0xde: {  	s10 =	simm.s32 @!p1 $0x9D80;
	[sflag:s9] =	ssyncset.done @!p1 $0x0  }
0xdf: {  	s11 =	simm.s32 @!p1 $0xAE00;
	[sflag:s9] =	ssyncadd.s32 @!p1 $0xFFFFF000;
	s9 =	simm.s32 @!p1 $0x80  }
0xe0: {  	[spmem:s1] =	stream.indirect.scatter.add.bf16 @!p1 [tilespmem:s11], [sflag:$0x4], $0x20, s10, s9, $0xb8;
	[tilespmem:$0x18900] =	vst v63  }
0xe1: {  	_ =	swait.ge [sflag:s26], $0x1000  }
0xe2: {  	[sflag:s26] =	ssyncset.done $0x0  }
0xe3: {  	[sflag:s26] =	ssyncadd.s32 $0xFFFFF000  }
0xe4: {  	[bflag:$0x0] =	sbarrier.arrive $0xFFFF  }
0xe5: {  	s10 =	rddreg [dreg:$0x7]  }
0xe6: {  	[tilespmem:s5], [sflag:$0x5] =	stream.linear.gather [hbm4b:s10+s4], $0x80, $0x38;
	[tilespmem:$0x18900] =	vst v63  }
0xe7: {  	_ =	swait.ge [sflag:s20], $0x80  }
0xe8: {  	[sflag:s20] =	ssyncset.done $0x0  }
0xe9: {  	[sflag:s20] =	ssyncadd.s32 $0xFFFFFF80  }
0xea: {  	[spmem:s3] =	stream.indirect.scatter.add.f32 [tilespmem:s21], [sflag:$0x5], $0x10, s5, s29, $0xb8;
	[tilespmem:$0x18900] =	vst v63  }
0xeb: {  	_ =	swait.ge [sflag:s20], $0x800  }
0xec: {  	[sflag:s20] =	ssyncset.done $0x0  }
0xed: {  	s11 =	rddreg [dreg:$0xb];
	[sflag:s20] =	ssyncadd.s32 $0xFFFFF800  }
0xee: {  	[tilespmem:s5], [sflag:$0x5] =	stream.linear.gather [hbm4b:s11+s4], $0x80, $0x38;
	[tilespmem:$0x18900] =	vst v63  }
0xef: {  	_ =	swait.ge [sflag:s20], $0x80  }
0xf0: {  	[sflag:s20] =	ssyncset.done $0x0  }
0xf1: {  	s12 =	simm.s32 $0xC600;
	[sflag:s20] =	ssyncadd.s32 $0xFFFFFF80  }
0xf2: {  	[spmem:s3] =	stream.indirect.scatter.add.f32 [tilespmem:s12], [sflag:$0x5], $0x10, s5, s29, $0xb8;
	[tilespmem:$0x18900] =	vst v63  }
0xf3: {  	_ =	swait.ge [sflag:s20], $0x800  }
0xf4: {  	[sflag:s20] =	ssyncset.done $0x0  }
0xf5: {  	[sflag:s20] =	ssyncadd.s32 $0xFFFFF800  }
0xf6: {  	[tilespmem:s5], [sflag:$0x5] =	stream.linear.gather [hbm4b:s13+s4], $0x80, $0x38;
	[tilespmem:$0x18900] =	vst v63  }
0xf7: {  	_ =	swait.ge [sflag:s20], $0x80  }
0xf8: {  	[sflag:s20] =	ssyncset.done $0x0  }
0xf9: {  	s10 =	simm.s32 $0xCE00;
	[sflag:s20] =	ssyncadd.s32 $0xFFFFFF80  }
0xfa: {  	[spmem:s3] =	stream.indirect.scatter.add.f32 [tilespmem:s10], [sflag:$0x5], $0x10, s5, s29, $0xb8;
	[tilespmem:$0x18900] =	vst v63  }
0xfb: {  	_ =	swait.ge [sflag:s20], $0x800  }
0xfc: {  	[sflag:s20] =	ssyncset.done $0x0  }
0xfd: {  	[sflag:s20] =	ssyncadd.s32 $0xFFFFF800  }
0xfe: {  	[tilespmem:s5], [sflag:$0x5] =	stream.linear.gather [hbm4b:s14+s4], $0x80, $0x38;
	[tilespmem:$0x18900] =	vst v63  }
0xff: {  	_ =	swait.ge [sflag:s20], $0x80  }
0x100: {  	[sflag:s20] =	ssyncset.done $0x0  }
0x101: {  	s11 =	simm.s32 $0xD600;
	[sflag:s20] =	ssyncadd.s32 $0xFFFFFF80  }
0x102: {  	[spmem:s3] =	stream.indirect.scatter.add.f32 [tilespmem:s11], [sflag:$0x5], $0x10, s5, s29, $0xb8;
	[tilespmem:$0x18900] =	vst v63  }
0x103: {  	_ =	swait.ge [sflag:s20], $0x800  }
0x104: {  	[sflag:s20] =	ssyncset.done $0x0  }
0x105: {  	[sflag:s20] =	ssyncadd.s32 $0xFFFFF800  }
0x106: {  	[tilespmem:s5], [sflag:$0x5] =	stream.linear.gather [hbm4b:s15+s4], $0x80, $0x38;
	[tilespmem:$0x18900] =	vst v63  }
0x107: {  	_ =	swait.ge [sflag:s20], $0x80  }
0x108: {  	[sflag:s20] =	ssyncset.done $0x0  }
0x109: {  	s12 =	simm.s32 $0xDE00;
	[sflag:s20] =	ssyncadd.s32 $0xFFFFFF80  }
0x10a: {  	[spmem:s3] =	stream.indirect.scatter.add.f32 [tilespmem:s12], [sflag:$0x5], $0x10, s5, s29, $0xb8;
	[tilespmem:$0x18900] =	vst v63  }
0x10b: {  	_ =	swait.ge [sflag:s20], $0x800  }
0x10c: {  	[sflag:s20] =	ssyncset.done $0x0  }
0x10d: {  	[sflag:s20] =	ssyncadd.s32 $0xFFFFF800  }
0x10e: {  	[hbm:s16], [sflag:s8] =	dma.local [spmem:s19], $0xA00  }
0x10f: {  	_ =	swait.ge [sflag:s20], $0xA00  }
0x110: {  	s7 =	sadd.s32 $0x1, s7;
	[sflag:s20] =	ssyncset.done $0x0  }
0x111: {  	p3 =	sne.s32 s7, s18;
	[sflag:s20] =	ssyncadd.s32 $0xFFFFF600  }
.Ltmp1:
0x112: {  	[bflag:$0x0] =	sbarrier.arrive $0xFFFF;
	(pc) =	sbr.rel @p3 .LBB2_1-.Ltmp1, $4  }
0x113: {  	[hbm:s17], [sflag:s8] =	dma.local [spmem:s25], $0x50  }
0x114: {  	_ =	swait.ge [sflag:s20], $0x50  }
0x115: {  	[sflag:s20] =	ssyncset.done $0x0  }
0x116: {  	[sflag:s20] =	ssyncadd.s32 $0xFFFFFFB0  }
0x117: {  	_ =	sfence.sel $0x180000  }
0x118: {  	[bflag:$0x0] =	sbarrier.arrive $0xFFFF  }
0x119: {  	_ =	strace $0x90000047  }
0x11a: {  	[bflag:$0x2] =	sbarrier.arrive $0xFFFF  }
0x11b: {  	s0 =	rddreg [dreg:$0x5]  }
0x11c: {  	s0 =	sadd.s32 @!p0 $0x100000, s0  }
0x11d: {  	[sflag:s0] =	ssyncadd.tile.s32 @!p0 $0x1;
	_ =	shalt  }
.Lfunc_end2:
_tile_overlayer_lowered:
.L_overlay_start_2:
0x11e: {  	(tag) =	ssettag $0x2  }
0x11f: {  	s0 =	rddreg [dreg:$0x0];
	s2 =	stileid.u32  }
0x120: {  	s1 =	rddreg [dreg:$0x1];
	p0 =	sne.s32 s2, $0x0  }
0x121: {  	s3 =	rddreg [dreg:$0x2];
	[bflag:$0x3] =	sbarrier.arrive $0xFFFF;
	s2 =	simm.s32 @!p0 $0x1C05  }
0x122: {  	[timem:s3], [sflag:s2] =	dma.local @!p0 [hbm:s0], s1  }
0x123: {  	s0 =	simm.s32 @!p0 $0x5  }
0x124: {  	_ =	swait.ge @!p0 [sflag:s0], s1  }
0x125: {  	s1 =	ssub.s32 @!p0 $0x0, s1;
	[sflag:s0] =	ssyncset.done @!p0 $0x0  }
0x126: {  	[sflag:s0] =	ssyncadd.s32 @!p0 s1  }
0x127: {  	[bflag:$0x3] =	sbarrier.arrive $0xFFFF  }
0x128: {  	_ =	shalt  }

</sc_bundles>
